<compile_context>
chip_gen: v7x
topology: tpu7x:2x2x1
jax: 0.10.2.dev20260603
libtpu: 0.0.44.dev20260713+nightly
codegen_flags: <defaults>
</compile_context>

<pallas_src>
import functools

import jax
import jax.numpy as jnp
from jax import lax
from jax.experimental import pallas as pl
from jax.experimental.pallas import tpu as pltpu
from jax.experimental.pallas import tpu_sc as plsc

N = 10000
D = 128
ROWS = 10240
NC = 2
NS = 16
NW = NC * NS
CHUNK = 128
RPT = ROWS // NS
ZB = 64
DEGW = 128

_mesh = plsc.VectorSubcoreMesh(core_axis_name="c", subcore_axis_name="s")


def _init_const_buf(ref, rows, width, value):
  per_row = width // 16

  def body(t, _):
    i = t // per_row
    k = t % per_row
    ref[i, pl.ds(k * 16, 16)] = jnp.full((16,), value, jnp.float32)
    return 0

  lax.fori_loop(0, rows * per_row, body, 0)


def _make_deg_kernel(totc):
  cpw = totc // NW

  @functools.partial(
      pl.kernel,
      out_type=jax.ShapeDtypeStruct((NC, ROWS, DEGW), jnp.float32),
      mesh=_mesh,
      scratch_types=[
          pltpu.VMEM((cpw, CHUNK), jnp.int32),
          pltpu.VMEM((CHUNK, DEGW), jnp.float32),
          pltpu.VMEM((ZB, DEGW), jnp.float32),
          pltpu.VMEM_SHARED((ROWS, DEGW), jnp.float32),
      ],
  )
  def deg_kernel(dst_hbm, out_hbm, idx_v, ones_v, zb_v, acc):
    c = lax.axis_index("c")
    s = lax.axis_index("s")
    wid = c * NS + s
    _init_const_buf(ones_v, CHUNK, DEGW, 1.0)
    _init_const_buf(zb_v, ZB, DEGW, 0.0)

    def zbody(t, _):
      pltpu.sync_copy(zb_v, acc.at[pl.ds(s * RPT + t * ZB, ZB)])
      return 0
    lax.fori_loop(0, RPT // ZB, zbody, 0)
    plsc.subcore_barrier()

    pltpu.sync_copy(dst_hbm.at[wid], idx_v)

    def body(j, _):
      pltpu.sync_copy(ones_v, acc.at[idx_v.at[j]], add=True)
      return 0
    lax.fori_loop(0, cpw, body, 0)
    plsc.subcore_barrier()

    pltpu.sync_copy(acc.at[pl.ds(s * RPT, RPT)],
                    out_hbm.at[c, pl.ds(s * RPT, RPT)])

  return deg_kernel


def _make_scatter_kernel(totc):
  cpw = totc // NW

  @functools.partial(
      pl.kernel,
      out_type=jax.ShapeDtypeStruct((NC, ROWS, D), jnp.float32),
      mesh=_mesh,
      scratch_types=[
          pltpu.VMEM((cpw, CHUNK), jnp.int32),
          pltpu.VMEM((cpw, CHUNK), jnp.int32),
          pltpu.VMEM((CHUNK, D), jnp.float32),
          pltpu.VMEM((ZB, D), jnp.float32),
          pltpu.VMEM_SHARED((ROWS, D), jnp.float32),
          pltpu.SemaphoreType.DMA,
      ],
  )
  def scat_kernel(y_hbm, src_hbm, dst_hbm, out_hbm, idx_s, idx_d, rows_v,
                  zb_v, acc, sem):
    c = lax.axis_index("c")
    s = lax.axis_index("s")
    wid = c * NS + s
    _init_const_buf(zb_v, ZB, D, 0.0)

    def zbody(t, _):
      pltpu.sync_copy(zb_v, acc.at[pl.ds(s * RPT + t * ZB, ZB)])
      return 0
    lax.fori_loop(0, RPT // ZB, zbody, 0)
    plsc.subcore_barrier()

    pltpu.sync_copy(src_hbm.at[wid], idx_s)
    pltpu.sync_copy(dst_hbm.at[wid], idx_d)

    def body(j, _):
      pltpu.async_copy(y_hbm.at[idx_s.at[j]], rows_v, sem).wait()
      pltpu.sync_copy(rows_v, acc.at[idx_d.at[j]], add=True)
      return 0

    lax.fori_loop(0, cpw, body, 0)
    plsc.subcore_barrier()

    pltpu.sync_copy(acc.at[pl.ds(s * RPT, RPT)],
                    out_hbm.at[c, pl.ds(s * RPT, RPT)])

  return scat_kernel


def _tc_prep(x_p, W1, degp):
  def body(x_ref, w_ref, dp_ref, y_ref, dinv_ref):
    deg = dp_ref[0, :, 0:1] + dp_ref[1, :, 0:1] + 1.0
    dinv = lax.rsqrt(jnp.maximum(deg, 1e-12))
    xw = jnp.dot(x_ref[...], w_ref[...], preferred_element_type=jnp.float32)
    y_ref[...] = xw * dinv
    dinv_ref[...] = dinv

  return pl.pallas_call(
      body,
      out_shape=(jax.ShapeDtypeStruct((ROWS, D), jnp.float32),
                 jax.ShapeDtypeStruct((ROWS, 1), jnp.float32)),
  )(x_p, W1, degp)


def _tc_mid(accp, y1, dinv, b1, gamma, beta, W2):
  def body(a_ref, y_ref, di_ref, b1_ref, g_ref, be_ref, w2_ref,
           h_ref, y2_ref):
    dinv = di_ref[...]
    h = (a_ref[0] + a_ref[1] + y_ref[...]) * dinv + b1_ref[...]
    h_ref[...] = h
    hv = h[:N]
    mu = jnp.mean(hv, axis=0, keepdims=True)
    var = jnp.mean(jnp.square(hv - mu), axis=0, keepdims=True)
    hn = (h - mu) * lax.rsqrt(var + 1e-5) * g_ref[...] + be_ref[...]
    hr = jnp.maximum(hn, 0.0)
    hw = jnp.dot(hr, w2_ref[...], preferred_element_type=jnp.float32)
    y2_ref[...] = hw * dinv

  return pl.pallas_call(
      body,
      out_shape=(jax.ShapeDtypeStruct((ROWS, D), jnp.float32),
                 jax.ShapeDtypeStruct((ROWS, D), jnp.float32)),
  )(accp, y1, dinv, b1, gamma, beta, W2)


def _tc_final(accp, y2, dinv, b2):
  def body(a_ref, y_ref, di_ref, b2_ref, o_ref):
    o_ref[...] = (a_ref[0] + a_ref[1] + y_ref[...]) * di_ref[...] + b2_ref[...]

  return pl.pallas_call(
      body,
      out_shape=jax.ShapeDtypeStruct((ROWS, D), jnp.float32),
  )(accp, y2, dinv, b2)


@jax.jit
def kernel(x, edge_index, W1, b1, gamma, beta, W2, b2):
  E = edge_index.shape[1]
  totc = -(-E // CHUNK)
  totc = -(-totc // NW) * NW
  e_pad = totc * CHUNK

  src = edge_index[0]
  dst = edge_index[1]
  pad = jnp.full((e_pad - E,), N, jnp.int32)
  src_p = jnp.concatenate([src, pad]).reshape(NW, totc // NW, CHUNK)
  dst_p = jnp.concatenate([dst, pad]).reshape(NW, totc // NW, CHUNK)

  x_p = jnp.pad(x, ((0, ROWS - N), (0, 0)))
  b1r = b1.reshape(1, D)
  b2r = b2.reshape(1, D)
  gr = gamma.reshape(1, D)
  ber = beta.reshape(1, D)

  degp = _make_deg_kernel(totc)(dst_p)
  y1, dinv = _tc_prep(x_p, W1, degp)
  acc1 = _make_scatter_kernel(totc)(y1, src_p, dst_p)
  hidden_p, y2 = _tc_mid(acc1, y1, dinv, b1r, gr, ber, W2)
  acc2 = _make_scatter_kernel(totc)(y2, src_p, dst_p)
  out_p = _tc_final(acc2, y2, dinv, b2r)

  return out_p[:N], hidden_p[:N]

# --- scband reference (transcript-rebuilt; emitter-appended) ---
"""Pipeline reference for scband-gcn-75685913690132 (READ-ONLY COPY).

The authoritative reference and input builder live on the scoring server;
editing this copy changes nothing except your own understanding.
"""

import jax, jax.numpy as jnp
import numpy as np

N = 10000
E = 320000
D = 128


def setup_inputs(seed: int = 0) -> dict:
    key = jax.random.key(seed)
    ks = jax.random.split(key, 8)
    x = jax.random.normal(ks[0], (N, D), dtype=jnp.float32)
    edge_index = jax.random.randint(ks[1], (2, E), 0, N, dtype=jnp.int32)
    W1 = jax.random.normal(ks[2], (D, D), dtype=jnp.float32) * (1.0 / np.sqrt(D))
    b1 = jnp.zeros((D,), dtype=jnp.float32)
    gamma = jnp.ones((D,), dtype=jnp.float32)
    beta = jnp.zeros((D,), dtype=jnp.float32)
    W2 = jax.random.normal(ks[3], (D, D), dtype=jnp.float32) * (1.0 / np.sqrt(D))
    b2 = jnp.zeros((D,), dtype=jnp.float32)
    return {"x": x, "edge_index": edge_index, "W1": W1, "b1": b1,
            "gamma": gamma, "beta": beta, "W2": W2, "b2": b2}


def _gcn_conv(x, edge_index, W, b):
    # PyG GCNConv: x' = D^{-1/2} (A + I) D^{-1/2} (x W) + b
    n = x.shape[0]
    src = edge_index[0]
    dst = edge_index[1]
    loop = jnp.arange(n, dtype=src.dtype)
    src = jnp.concatenate([src, loop])
    dst = jnp.concatenate([dst, loop])
    xw = x @ W
    deg = jnp.zeros((n,), dtype=x.dtype).at[dst].add(1.0)
    dinv = jax.lax.rsqrt(jnp.maximum(deg, 1e-12))
    norm = dinv[src] * dinv[dst]
    msg = jnp.take(xw, src, axis=0) * norm[:, None]
    out = jnp.zeros((n, W.shape[1]), dtype=x.dtype).at[dst].add(msg)
    return out + b


def reference(x, edge_index, W1, b1, gamma, beta, W2, b2):
    # layer 1
    h = _gcn_conv(x, edge_index, W1, b1)
    hidden = h  # x.clone() before norm
    # BatchNorm1d (training-mode batch statistics, eps=1e-5)
    mean = jnp.mean(h, axis=0)
    var = jnp.var(h, axis=0)
    hn = (h - mean) * jax.lax.rsqrt(var + 1e-5) * gamma + beta
    hr = jax.nn.relu(hn)
    # dropout is identity in deterministic/eval reference
    out = _gcn_conv(hr, edge_index, W2, b2)
    return (out, hidden)

if __name__ == "__main__":
    import jax
    _d = setup_inputs()
    print(jax.jit(kernel)(*tuple(_d.values())))

</pallas_src>

<mosaic_0001>
#map = affine_map<(d0, d1) -> (0, 0, 0)>
module attributes {stable_mosaic.version = 14 : i64} {
  func.func @deg_kernel(%arg0: i32, %arg1: i32, %arg2: memref<32x79x128xi32, #tpu.memory_space<hbm>>, %arg3: memref<2x10240x128xf32, #tpu.memory_space<hbm>>, %arg4: memref<79x128xi32, #tpu.memory_space<vmem>>, %arg5: memref<128x128xf32, #tpu.memory_space<vmem>>, %arg6: memref<64x128xf32, #tpu.memory_space<vmem>>, %arg7: memref<10240x128xf32, #tpu.memory_space<vmem_shared>>) attributes {dimension_semantics = [#tpu.dimension_semantics<core_parallel>, #tpu.dimension_semantics<subcore_parallel>], iteration_bounds = array<i64: 2, 16>, scalar_prefetch = 0 : i64, scratch_operands = 4 : i64, tpu.core_type = #tpu.core_type<sc_vector_subcore>, window_params = [{transform_indices = #map}, {transform_indices = #map}]} {
    %mul3A = arith.constant 16 : i32
    %mul3A_0 = arith.muli %arg0, %mul3A : i32
    %add3A = arith.addi %mul3A_0, %arg1 : i32
    %scan3A = arith.constant 0 : i32
    %scan3A_1 = arith.constant 0 : i32
    %scan3A_2 = arith.constant 1024 : i32
    %scan3A_3 = arith.addi %scan3A_1, %scan3A_2 : i32
    %scan3A_4 = arith.constant 1 : i32
    %scan3A_5 = scf.for %scan3A_33 = %scan3A_1 to %scan3A_3 step %scan3A_4 iter_args(%scan3A_34 = %scan3A) -> (i32)  : i32 {
      %jit3A = arith.constant 8 : i32
      %div3A = arith.divsi %scan3A_33, %jit3A : i32
      %sign3A = arith.constant 0 : i32
      %sign3A_35 = arith.cmpi sgt, %scan3A_33, %sign3A : i32
      %sign3A_36 = arith.extui %sign3A_35 : i1 to i32
      %sign3A_37 = arith.constant 0 : i32
      %sign3A_38 = arith.cmpi slt, %scan3A_33, %sign3A_37 : i32
      %sign3A_39 = arith.extui %sign3A_38 : i1 to i32
      %sign3A_40 = arith.subi %sign3A_36, %sign3A_39 : i32
      %sign3A_41 = arith.constant 0 : i32
      %sign3A_42 = arith.cmpi sgt, %jit3A, %sign3A_41 : i32
      %sign3A_43 = arith.extui %sign3A_42 : i1 to i32
      %sign3A_44 = arith.constant 0 : i32
      %sign3A_45 = arith.cmpi slt, %jit3A, %sign3A_44 : i32
      %sign3A_46 = arith.extui %sign3A_45 : i1 to i32
      %sign3A_47 = arith.subi %sign3A_43, %sign3A_46 : i32
      %ne3A = arith.cmpi ne, %sign3A_40, %sign3A_47 : i32
      %rem3A = arith.remsi %scan3A_33, %jit3A : i32
      %ne3A_48 = arith.constant 0 : i32
      %ne3A_49 = arith.cmpi ne, %rem3A, %ne3A_48 : i32
      %and3A = arith.andi %ne3A, %ne3A_49 : i1
      %sub3A = arith.constant 1 : i32
      %sub3A_50 = arith.subi %div3A, %sub3A : i32
      %select_n3A = arith.select %and3A, %sub3A_50, %div3A : i32
      %jit3A_51 = arith.constant 8 : i32
      %eq3A = arith.constant 0 : i32
      %eq3A_52 = arith.cmpi eq, %jit3A_51, %eq3A : i32
      %jit3A_53 = arith.constant 1 : i32
      %select_n3A_54 = arith.select %eq3A_52, %jit3A_53, %jit3A_51 : i32
      %rem3A_55 = arith.remsi %scan3A_33, %select_n3A_54 : i32
      %ne3A_56 = arith.constant 0 : i32
      %ne3A_57 = arith.cmpi ne, %rem3A_55, %ne3A_56 : i32
      %lt3A = arith.constant 0 : i32
      %lt3A_58 = arith.cmpi slt, %rem3A_55, %lt3A : i32
      %lt3A_59 = arith.constant 0 : i32
      %lt3A_60 = arith.cmpi slt, %select_n3A_54, %lt3A_59 : i32
      %ne3A_61 = arith.xori %lt3A_58, %lt3A_60 : i1
      %and3A_62 = arith.andi %ne3A_61, %ne3A_57 : i1
      %add3A_63 = arith.addi %rem3A_55, %select_n3A_54 : i32
      %select_n3A_64 = arith.select %and3A_62, %add3A_63, %rem3A_55 : i32
      %broadcast_in_dim3A = arith.constant 1.000000e+00 : f32
      %broadcast_in_dim3A_65 = vector.broadcast %broadcast_in_dim3A : f32 to vector<16xf32>
      %mul3A_66 = arith.constant 16 : i32
      %mul3A_67 = arith.muli %select_n3A_64, %mul3A_66 : i32
      %swap3A = arith.index_cast %select_n3A : i32 to index
      %swap3A_68 = arith.index_cast %mul3A_67 : i32 to index
      %swap3A_69 = tpu.vector_load %arg5[%swap3A, %swap3A_68] {strides = array<i32>} : memref<128x128xf32, #tpu.memory_space<vmem>>, vector<1x16xf32>,
      %swap3A_70 = vector.shape_cast %swap3A_69 : vector<1x16xf32> to vector<16xf32>
      %swap3A_71 = vector.shape_cast %broadcast_in_dim3A_65 : vector<16xf32> to vector<1x16xf32>
      tpu.vector_store %arg5[%swap3A, %swap3A_68], %swap3A_71 {strides = array<i32>} : memref<128x128xf32, #tpu.memory_space<vmem>>, vector<1x16xf32>,
      %scan3A_72 = arith.constant 0 : i32
      scf.yield %scan3A_72 : i32
    }
    %scan3A_6 = arith.constant 1024 : i32
    %scan3A_7 = arith.constant 0 : i32
    %scan3A_8 = arith.constant 0 : i32
    %scan3A_9 = arith.constant 512 : i32
    %scan3A_10 = arith.addi %scan3A_8, %scan3A_9 : i32
    %scan3A_11 = arith.constant 1 : i32
    %scan3A_12 = scf.for %scan3A_33 = %scan3A_8 to %scan3A_10 step %scan3A_11 iter_args(%scan3A_34 = %scan3A_7) -> (i32)  : i32 {
      %jit3A = arith.constant 8 : i32
      %div3A = arith.divsi %scan3A_33, %jit3A : i32
      %sign3A = arith.constant 0 : i32
      %sign3A_35 = arith.cmpi sgt, %scan3A_33, %sign3A : i32
      %sign3A_36 = arith.extui %sign3A_35 : i1 to i32
      %sign3A_37 = arith.constant 0 : i32
      %sign3A_38 = arith.cmpi slt, %scan3A_33, %sign3A_37 : i32
      %sign3A_39 = arith.extui %sign3A_38 : i1 to i32
      %sign3A_40 = arith.subi %sign3A_36, %sign3A_39 : i32
      %sign3A_41 = arith.constant 0 : i32
      %sign3A_42 = arith.cmpi sgt, %jit3A, %sign3A_41 : i32
      %sign3A_43 = arith.extui %sign3A_42 : i1 to i32
      %sign3A_44 = arith.constant 0 : i32
      %sign3A_45 = arith.cmpi slt, %jit3A, %sign3A_44 : i32
      %sign3A_46 = arith.extui %sign3A_45 : i1 to i32
      %sign3A_47 = arith.subi %sign3A_43, %sign3A_46 : i32
      %ne3A = arith.cmpi ne, %sign3A_40, %sign3A_47 : i32
      %rem3A = arith.remsi %scan3A_33, %jit3A : i32
      %ne3A_48 = arith.constant 0 : i32
      %ne3A_49 = arith.cmpi ne, %rem3A, %ne3A_48 : i32
      %and3A = arith.andi %ne3A, %ne3A_49 : i1
      %sub3A = arith.constant 1 : i32
      %sub3A_50 = arith.subi %div3A, %sub3A : i32
      %select_n3A = arith.select %and3A, %sub3A_50, %div3A : i32
      %jit3A_51 = arith.constant 8 : i32
      %eq3A = arith.constant 0 : i32
      %eq3A_52 = arith.cmpi eq, %jit3A_51, %eq3A : i32
      %jit3A_53 = arith.constant 1 : i32
      %select_n3A_54 = arith.select %eq3A_52, %jit3A_53, %jit3A_51 : i32
      %rem3A_55 = arith.remsi %scan3A_33, %select_n3A_54 : i32
      %ne3A_56 = arith.constant 0 : i32
      %ne3A_57 = arith.cmpi ne, %rem3A_55, %ne3A_56 : i32
      %lt3A = arith.constant 0 : i32
      %lt3A_58 = arith.cmpi slt, %rem3A_55, %lt3A : i32
      %lt3A_59 = arith.constant 0 : i32
      %lt3A_60 = arith.cmpi slt, %select_n3A_54, %lt3A_59 : i32
      %ne3A_61 = arith.xori %lt3A_58, %lt3A_60 : i1
      %and3A_62 = arith.andi %ne3A_61, %ne3A_57 : i1
      %add3A_63 = arith.addi %rem3A_55, %select_n3A_54 : i32
      %select_n3A_64 = arith.select %and3A_62, %add3A_63, %rem3A_55 : i32
      %broadcast_in_dim3A = arith.constant 0.000000e+00 : f32
      %broadcast_in_dim3A_65 = vector.broadcast %broadcast_in_dim3A : f32 to vector<16xf32>
      %mul3A_66 = arith.constant 16 : i32
      %mul3A_67 = arith.muli %select_n3A_64, %mul3A_66 : i32
      %swap3A = arith.index_cast %select_n3A : i32 to index
      %swap3A_68 = arith.index_cast %mul3A_67 : i32 to index
      %swap3A_69 = tpu.vector_load %arg6[%swap3A, %swap3A_68] {strides = array<i32>} : memref<64x128xf32, #tpu.memory_space<vmem>>, vector<1x16xf32>,
      %swap3A_70 = vector.shape_cast %swap3A_69 : vector<1x16xf32> to vector<16xf32>
      %swap3A_71 = vector.shape_cast %broadcast_in_dim3A_65 : vector<16xf32> to vector<1x16xf32>
      tpu.vector_store %arg6[%swap3A, %swap3A_68], %swap3A_71 {strides = array<i32>} : memref<64x128xf32, #tpu.memory_space<vmem>>, vector<1x16xf32>,
      %scan3A_72 = arith.constant 0 : i32
      scf.yield %scan3A_72 : i32
    }
    %scan3A_13 = arith.constant 512 : i32
    %scan3A_14 = arith.constant 0 : i32
    %scan3A_15 = arith.constant 0 : i32
    %scan3A_16 = arith.constant 10 : i32
    %scan3A_17 = arith.addi %scan3A_15, %scan3A_16 : i32
    %scan3A_18 = arith.constant 1 : i32
    %scan3A_19 = scf.for %scan3A_33 = %scan3A_15 to %scan3A_17 step %scan3A_18 iter_args(%scan3A_34 = %scan3A_14) -> (i32)  : i32 {
      %mul3A_35 = arith.constant 640 : i32
      %mul3A_36 = arith.muli %arg1, %mul3A_35 : i32
      %mul3A_37 = arith.constant 64 : i32
      %mul3A_38 = arith.muli %scan3A_33, %mul3A_37 : i32
      %add3A_39 = arith.addi %mul3A_36, %mul3A_38 : i32
      "tpu.region"() ({
        %run_scoped3A = tpu.sem_alloc : memref<!tpu.dma_semaphore, #tpu.memory_space<semaphore_mem>>
        %dma_start3A = arith.constant 0 : i32
        %dma_start3A_41 = tpu.memref_slice %arg7[%add3A_39, %dma_start3A] : memref<10240x128xf32, #tpu.memory_space<vmem_shared>> -> memref<64x128xf32, #tpu.memory_space<vmem_shared>>
        %dma_start3A_42 = arith.constant 0 : i32
        %dma_start3A_43 = tpu.memref_slice %arg7[%add3A_39, %dma_start3A_42] : memref<10240x128xf32, #tpu.memory_space<vmem_shared>> -> memref<64x128xf32, #tpu.memory_space<vmem_shared>>
        tpu.enqueue_dma source(%arg6 : memref<64x128xf32, #tpu.memory_space<vmem>>) target(%dma_start3A_43 : memref<64x128xf32, #tpu.memory_space<vmem_shared>>) target_semaphore(%run_scoped3A : memref<!tpu.dma_semaphore, #tpu.memory_space<semaphore_mem>>)
        %dma_wait3A = arith.constant 0 : i32
        %dma_wait3A_44 = tpu.memref_slice %arg7[%add3A_39, %dma_wait3A] : memref<10240x128xf32, #tpu.memory_space<vmem_shared>> -> memref<64x128xf32, #tpu.memory_space<vmem_shared>>
        %dma_wait3A_45 = arith.constant 0 : i32
        %dma_wait3A_46 = tpu.memref_slice %arg7[%add3A_39, %dma_wait3A_45] : memref<10240x128xf32, #tpu.memory_space<vmem_shared>> -> memref<64x128xf32, #tpu.memory_space<vmem_shared>>
        tpu.wait_dma2 semaphore(%run_scoped3A : memref<!tpu.dma_semaphore, #tpu.memory_space<semaphore_mem>>) src(%arg6 : memref<64x128xf32, #tpu.memory_space<vmem>>) dst(%dma_wait3A_46 : memref<64x128xf32, #tpu.memory_space<vmem_shared>>)
        tpu.yield
      }) : () -> ()
      %scan3A_40 = arith.constant 0 : i32
      scf.yield %scan3A_40 : i32
    }
    %scan3A_20 = arith.constant 10 : i32
    %barrier3A = arith.constant 0 : index
    tpu.barrier barrier_id(%barrier3A)
    "tpu.region"() ({
      %run_scoped3A = tpu.sem_alloc : memref<!tpu.dma_semaphore, #tpu.memory_space<semaphore_mem>>
      %dma_start3A = arith.constant 0 : i32
      %dma_start3A_33 = arith.constant 0 : i32
      %dma_start3A_34 = tpu.memref_slice %arg2[%add3A, %dma_start3A, %dma_start3A_33] : memref<32x79x128xi32, #tpu.memory_space<hbm>> -> memref<1x79x128xi32, #tpu.memory_space<hbm>>
      %dma_start3A_35 = tpu.memref_squeeze %dma_start3A_34 : memref<1x79x128xi32, #tpu.memory_space<hbm>> -> memref<79x128xi32, #tpu.memory_space<hbm>>
      %dma_start3A_36 = arith.constant 0 : i32
      %dma_start3A_37 = arith.constant 0 : i32
      %dma_start3A_38 = tpu.memref_slice %arg2[%add3A, %dma_start3A_36, %dma_start3A_37] : memref<32x79x128xi32, #tpu.memory_space<hbm>> -> memref<1x79x128xi32, #tpu.memory_space<hbm>>
      %dma_start3A_39 = tpu.memref_squeeze %dma_start3A_38 : memref<1x79x128xi32, #tpu.memory_space<hbm>> -> memref<79x128xi32, #tpu.memory_space<hbm>>
      tpu.enqueue_dma source(%dma_start3A_39 : memref<79x128xi32, #tpu.memory_space<hbm>>) target(%arg4 : memref<79x128xi32, #tpu.memory_space<vmem>>) target_semaphore(%run_scoped3A : memref<!tpu.dma_semaphore, #tpu.memory_space<semaphore_mem>>)
      %dma_wait3A = arith.constant 0 : i32
      %dma_wait3A_40 = arith.constant 0 : i32
      %dma_wait3A_41 = tpu.memref_slice %arg2[%add3A, %dma_wait3A, %dma_wait3A_40] : memref<32x79x128xi32, #tpu.memory_space<hbm>> -> memref<1x79x128xi32, #tpu.memory_space<hbm>>
      %dma_wait3A_42 = tpu.memref_squeeze %dma_wait3A_41 : memref<1x79x128xi32, #tpu.memory_space<hbm>> -> memref<79x128xi32, #tpu.memory_space<hbm>>
      %dma_wait3A_43 = arith.constant 0 : i32
      %dma_wait3A_44 = arith.constant 0 : i32
      %dma_wait3A_45 = tpu.memref_slice %arg2[%add3A, %dma_wait3A_43, %dma_wait3A_44] : memref<32x79x128xi32, #tpu.memory_space<hbm>> -> memref<1x79x128xi32, #tpu.memory_space<hbm>>
      %dma_wait3A_46 = tpu.memref_squeeze %dma_wait3A_45 : memref<1x79x128xi32, #tpu.memory_space<hbm>> -> memref<79x128xi32, #tpu.memory_space<hbm>>
      tpu.wait_dma2 semaphore(%run_scoped3A : memref<!tpu.dma_semaphore, #tpu.memory_space<semaphore_mem>>) src(%dma_wait3A_46 : memref<79x128xi32, #tpu.memory_space<hbm>>) dst(%arg4 : memref<79x128xi32, #tpu.memory_space<vmem>>)
      tpu.yield
    }) : () -> ()
    %scan3A_21 = arith.constant 0 : i32
    %scan3A_22 = arith.constant 0 : i32
    %scan3A_23 = arith.constant 79 : i32
    %scan3A_24 = arith.addi %scan3A_22, %scan3A_23 : i32
    %scan3A_25 = arith.constant 1 : i32
    %scan3A_26 = scf.for %scan3A_33 = %scan3A_22 to %scan3A_24 step %scan3A_25 iter_args(%scan3A_34 = %scan3A_21) -> (i32)  : i32 {
      "tpu.region"() ({
        %run_scoped3A = tpu.sem_alloc : memref<!tpu.dma_semaphore, #tpu.memory_space<semaphore_mem>>
        %dma_start3A = arith.constant 0 : i32
        %dma_start3A_36 = tpu.memref_slice %arg4[%scan3A_33, %dma_start3A] : memref<79x128xi32, #tpu.memory_space<vmem>> -> memref<1x128xi32, #tpu.memory_space<vmem>>
        %dma_start3A_37 = tpu.memref_squeeze %dma_start3A_36 : memref<1x128xi32, #tpu.memory_space<vmem>> -> memref<128xi32, #tpu.memory_space<vmem>>
        %dma_start3A_38 = arith.constant 0 : i32
        %dma_start3A_39 = arith.constant 0 : i32
        %dma_start3A_40 = tpu.memref_slice %arg7[%dma_start3A_38, %dma_start3A_39] : memref<10240x128xf32, #tpu.memory_space<vmem_shared>> -> memref<10240x128xf32, #tpu.memory_space<vmem_shared>>
        tpu.enqueue_indirect_dma source(%arg5 : memref<128x128xf32, #tpu.memory_space<vmem>>) target(%dma_start3A_40 : memref<10240x128xf32, #tpu.memory_space<vmem_shared>>) offsets(%dma_start3A_37 : memref<128xi32, #tpu.memory_space<vmem>>) semaphore(%run_scoped3A : memref<!tpu.dma_semaphore, #tpu.memory_space<semaphore_mem>>) {add = true}
        %dma_wait3A = arith.constant 0 : i32
        %dma_wait3A_41 = tpu.memref_slice %arg4[%scan3A_33, %dma_wait3A] : memref<79x128xi32, #tpu.memory_space<vmem>> -> memref<1x128xi32, #tpu.memory_space<vmem>>
        %dma_wait3A_42 = tpu.memref_squeeze %dma_wait3A_41 : memref<1x128xi32, #tpu.memory_space<vmem>> -> memref<128xi32, #tpu.memory_space<vmem>>
        %dma_wait3A_43 = arith.constant 0 : i32
        %dma_wait3A_44 = arith.constant 0 : i32
        %dma_wait3A_45 = tpu.memref_slice %arg7[%dma_wait3A_43, %dma_wait3A_44] : memref<10240x128xf32, #tpu.memory_space<vmem_shared>> -> memref<10240x128xf32, #tpu.memory_space<vmem_shared>>
        tpu.wait_indirect_dma semaphore(%run_scoped3A : memref<!tpu.dma_semaphore, #tpu.memory_space<semaphore_mem>>) src(%arg5 : memref<128x128xf32, #tpu.memory_space<vmem>>) dst(%dma_wait3A_45 : memref<10240x128xf32, #tpu.memory_space<vmem_shared>>)
        tpu.yield
      }) : () -> ()
      %scan3A_35 = arith.constant 0 : i32
      scf.yield %scan3A_35 : i32
    }
    %scan3A_27 = arith.constant 79 : i32
    %barrier3A_28 = arith.constant 0 : index
    tpu.barrier barrier_id(%barrier3A_28)
    %mul3A_29 = arith.constant 640 : i32
    %mul3A_30 = arith.muli %arg1, %mul3A_29 : i32
    %mul3A_31 = arith.constant 640 : i32
    %mul3A_32 = arith.muli %arg1, %mul3A_31 : i32
    "tpu.region"() ({
      %run_scoped3A = tpu.sem_alloc : memref<!tpu.dma_semaphore, #tpu.memory_space<semaphore_mem>>
      %dma_start3A = arith.constant 0 : i32
      %dma_start3A_33 = tpu.memref_slice %arg3[%arg0, %mul3A_32, %dma_start3A] : memref<2x10240x128xf32, #tpu.memory_space<hbm>> -> memref<1x640x128xf32, #tpu.memory_space<hbm>>
      %dma_start3A_34 = tpu.memref_squeeze %dma_start3A_33 : memref<1x640x128xf32, #tpu.memory_space<hbm>> -> memref<640x128xf32, #tpu.memory_space<hbm>>
      %dma_start3A_35 = arith.constant 0 : i32
      %dma_start3A_36 = tpu.memref_slice %arg7[%mul3A_30, %dma_start3A_35] : memref<10240x128xf32, #tpu.memory_space<vmem_shared>> -> memref<640x128xf32, #tpu.memory_space<vmem_shared>>
      tpu.enqueue_dma source(%dma_start3A_36 : memref<640x128xf32, #tpu.memory_space<vmem_shared>>) target(%dma_start3A_34 : memref<640x128xf32, #tpu.memory_space<hbm>>) target_semaphore(%run_scoped3A : memref<!tpu.dma_semaphore, #tpu.memory_space<semaphore_mem>>)
      %dma_wait3A = arith.constant 0 : i32
      %dma_wait3A_37 = tpu.memref_slice %arg3[%arg0, %mul3A_32, %dma_wait3A] : memref<2x10240x128xf32, #tpu.memory_space<hbm>> -> memref<1x640x128xf32, #tpu.memory_space<hbm>>
      %dma_wait3A_38 = tpu.memref_squeeze %dma_wait3A_37 : memref<1x640x128xf32, #tpu.memory_space<hbm>> -> memref<640x128xf32, #tpu.memory_space<hbm>>
      %dma_wait3A_39 = arith.constant 0 : i32
      %dma_wait3A_40 = tpu.memref_slice %arg7[%mul3A_30, %dma_wait3A_39] : memref<10240x128xf32, #tpu.memory_space<vmem_shared>> -> memref<640x128xf32, #tpu.memory_space<vmem_shared>>
      tpu.wait_dma2 semaphore(%run_scoped3A : memref<!tpu.dma_semaphore, #tpu.memory_space<semaphore_mem>>) src(%dma_wait3A_40 : memref<640x128xf32, #tpu.memory_space<vmem_shared>>) dst(%dma_wait3A_38 : memref<640x128xf32, #tpu.memory_space<hbm>>)
      tpu.yield
    }) : () -> ()
    return
  }
}

#map = affine_map<(d0, d1) -> (0, 0)>
#map1 = affine_map<(d0, d1) -> (0, 0, 0)>
module attributes {stable_mosaic.version = 14 : i64} {
  func.func @scat_kernel(%arg0: i32, %arg1: i32, %arg2: memref<10240x128xf32, #tpu.memory_space<hbm>>, %arg3: memref<32x79x128xi32, #tpu.memory_space<hbm>>, %arg4: memref<32x79x128xi32, #tpu.memory_space<hbm>>, %arg5: memref<2x10240x128xf32, #tpu.memory_space<hbm>>, %arg6: memref<79x128xi32, #tpu.memory_space<vmem>>, %arg7: memref<79x128xi32, #tpu.memory_space<vmem>>, %arg8: memref<128x128xf32, #tpu.memory_space<vmem>>, %arg9: memref<64x128xf32, #tpu.memory_space<vmem>>, %arg10: memref<10240x128xf32, #tpu.memory_space<vmem_shared>>, %arg11: memref<!tpu.dma_semaphore, #tpu.memory_space<semaphore_mem>>) attributes {dimension_semantics = [#tpu.dimension_semantics<core_parallel>, #tpu.dimension_semantics<subcore_parallel>], iteration_bounds = array<i64: 2, 16>, scalar_prefetch = 0 : i64, scratch_operands = 6 : i64, tpu.core_type = #tpu.core_type<sc_vector_subcore>, window_params = [{transform_indices = #map}, {transform_indices = #map1}, {transform_indices = #map1}, {transform_indices = #map1}]} {
    %mul3A = arith.constant 16 : i32
    %mul3A_0 = arith.muli %arg0, %mul3A : i32
    %add3A = arith.addi %mul3A_0, %arg1 : i32
    %scan3A = arith.constant 0 : i32
    %scan3A_1 = arith.constant 0 : i32
    %scan3A_2 = arith.constant 512 : i32
    %scan3A_3 = arith.addi %scan3A_1, %scan3A_2 : i32
    %scan3A_4 = arith.constant 1 : i32
    %scan3A_5 = scf.for %scan3A_26 = %scan3A_1 to %scan3A_3 step %scan3A_4 iter_args(%scan3A_27 = %scan3A) -> (i32)  : i32 {
      %jit3A = arith.constant 8 : i32
      %div3A = arith.divsi %scan3A_26, %jit3A : i32
      %sign3A = arith.constant 0 : i32
      %sign3A_28 = arith.cmpi sgt, %scan3A_26, %sign3A : i32
      %sign3A_29 = arith.extui %sign3A_28 : i1 to i32
      %sign3A_30 = arith.constant 0 : i32
      %sign3A_31 = arith.cmpi slt, %scan3A_26, %sign3A_30 : i32
      %sign3A_32 = arith.extui %sign3A_31 : i1 to i32
      %sign3A_33 = arith.subi %sign3A_29, %sign3A_32 : i32
      %sign3A_34 = arith.constant 0 : i32
      %sign3A_35 = arith.cmpi sgt, %jit3A, %sign3A_34 : i32
      %sign3A_36 = arith.extui %sign3A_35 : i1 to i32
      %sign3A_37 = arith.constant 0 : i32
      %sign3A_38 = arith.cmpi slt, %jit3A, %sign3A_37 : i32
      %sign3A_39 = arith.extui %sign3A_38 : i1 to i32
      %sign3A_40 = arith.subi %sign3A_36, %sign3A_39 : i32
      %ne3A = arith.cmpi ne, %sign3A_33, %sign3A_40 : i32
      %rem3A = arith.remsi %scan3A_26, %jit3A : i32
      %ne3A_41 = arith.constant 0 : i32
      %ne3A_42 = arith.cmpi ne, %rem3A, %ne3A_41 : i32
      %and3A = arith.andi %ne3A, %ne3A_42 : i1
      %sub3A = arith.constant 1 : i32
      %sub3A_43 = arith.subi %div3A, %sub3A : i32
      %select_n3A = arith.select %and3A, %sub3A_43, %div3A : i32
      %jit3A_44 = arith.constant 8 : i32
      %eq3A = arith.constant 0 : i32
      %eq3A_45 = arith.cmpi eq, %jit3A_44, %eq3A : i32
      %jit3A_46 = arith.constant 1 : i32
      %select_n3A_47 = arith.select %eq3A_45, %jit3A_46, %jit3A_44 : i32
      %rem3A_48 = arith.remsi %scan3A_26, %select_n3A_47 : i32
      %ne3A_49 = arith.constant 0 : i32
      %ne3A_50 = arith.cmpi ne, %rem3A_48, %ne3A_49 : i32
      %lt3A = arith.constant 0 : i32
      %lt3A_51 = arith.cmpi slt, %rem3A_48, %lt3A : i32
      %lt3A_52 = arith.constant 0 : i32
      %lt3A_53 = arith.cmpi slt, %select_n3A_47, %lt3A_52 : i32
      %ne3A_54 = arith.xori %lt3A_51, %lt3A_53 : i1
      %and3A_55 = arith.andi %ne3A_54, %ne3A_50 : i1
      %add3A_56 = arith.addi %rem3A_48, %select_n3A_47 : i32
      %select_n3A_57 = arith.select %and3A_55, %add3A_56, %rem3A_48 : i32
      %broadcast_in_dim3A = arith.constant 0.000000e+00 : f32
      %broadcast_in_dim3A_58 = vector.broadcast %broadcast_in_dim3A : f32 to vector<16xf32>
      %mul3A_59 = arith.constant 16 : i32
      %mul3A_60 = arith.muli %select_n3A_57, %mul3A_59 : i32
      %swap3A = arith.index_cast %select_n3A : i32 to index
      %swap3A_61 = arith.index_cast %mul3A_60 : i32 to index
      %swap3A_62 = tpu.vector_load %arg9[%swap3A, %swap3A_61] {strides = array<i32>} : memref<64x128xf32, #tpu.memory_space<vmem>>, vector<1x16xf32>,
      %swap3A_63 = vector.shape_cast %swap3A_62 : vector<1x16xf32> to vector<16xf32>
      %swap3A_64 = vector.shape_cast %broadcast_in_dim3A_58 : vector<16xf32> to vector<1x16xf32>
      tpu.vector_store %arg9[%swap3A, %swap3A_61], %swap3A_64 {strides = array<i32>} : memref<64x128xf32, #tpu.memory_space<vmem>>, vector<1x16xf32>,
      %scan3A_65 = arith.constant 0 : i32
      scf.yield %scan3A_65 : i32
    }
    %scan3A_6 = arith.constant 512 : i32
    %scan3A_7 = arith.constant 0 : i32
    %scan3A_8 = arith.constant 0 : i32
    %scan3A_9 = arith.constant 10 : i32
    %scan3A_10 = arith.addi %scan3A_8, %scan3A_9 : i32
    %scan3A_11 = arith.constant 1 : i32
    %scan3A_12 = scf.for %scan3A_26 = %scan3A_8 to %scan3A_10 step %scan3A_11 iter_args(%scan3A_27 = %scan3A_7) -> (i32)  : i32 {
      %mul3A_28 = arith.constant 640 : i32
      %mul3A_29 = arith.muli %arg1, %mul3A_28 : i32
      %mul3A_30 = arith.constant 64 : i32
      %mul3A_31 = arith.muli %scan3A_26, %mul3A_30 : i32
      %add3A_32 = arith.addi %mul3A_29, %mul3A_31 : i32
      "tpu.region"() ({
        %run_scoped3A = tpu.sem_alloc : memref<!tpu.dma_semaphore, #tpu.memory_space<semaphore_mem>>
        %dma_start3A = arith.constant 0 : i32
        %dma_start3A_34 = tpu.memref_slice %arg10[%add3A_32, %dma_start3A] : memref<10240x128xf32, #tpu.memory_space<vmem_shared>> -> memref<64x128xf32, #tpu.memory_space<vmem_shared>>
        %dma_start3A_35 = arith.constant 0 : i32
        %dma_start3A_36 = tpu.memref_slice %arg10[%add3A_32, %dma_start3A_35] : memref<10240x128xf32, #tpu.memory_space<vmem_shared>> -> memref<64x128xf32, #tpu.memory_space<vmem_shared>>
        tpu.enqueue_dma source(%arg9 : memref<64x128xf32, #tpu.memory_space<vmem>>) target(%dma_start3A_36 : memref<64x128xf32, #tpu.memory_space<vmem_shared>>) target_semaphore(%run_scoped3A : memref<!tpu.dma_semaphore, #tpu.memory_space<semaphore_mem>>)
        %dma_wait3A = arith.constant 0 : i32
        %dma_wait3A_37 = tpu.memref_slice %arg10[%add3A_32, %dma_wait3A] : memref<10240x128xf32, #tpu.memory_space<vmem_shared>> -> memref<64x128xf32, #tpu.memory_space<vmem_shared>>
        %dma_wait3A_38 = arith.constant 0 : i32
        %dma_wait3A_39 = tpu.memref_slice %arg10[%add3A_32, %dma_wait3A_38] : memref<10240x128xf32, #tpu.memory_space<vmem_shared>> -> memref<64x128xf32, #tpu.memory_space<vmem_shared>>
        tpu.wait_dma2 semaphore(%run_scoped3A : memref<!tpu.dma_semaphore, #tpu.memory_space<semaphore_mem>>) src(%arg9 : memref<64x128xf32, #tpu.memory_space<vmem>>) dst(%dma_wait3A_39 : memref<64x128xf32, #tpu.memory_space<vmem_shared>>)
        tpu.yield
      }) : () -> ()
      %scan3A_33 = arith.constant 0 : i32
      scf.yield %scan3A_33 : i32
    }
    %scan3A_13 = arith.constant 10 : i32
    %barrier3A = arith.constant 0 : index
    tpu.barrier barrier_id(%barrier3A)
    "tpu.region"() ({
      %run_scoped3A = tpu.sem_alloc : memref<!tpu.dma_semaphore, #tpu.memory_space<semaphore_mem>>
      %dma_start3A = arith.constant 0 : i32
      %dma_start3A_26 = arith.constant 0 : i32
      %dma_start3A_27 = tpu.memref_slice %arg3[%add3A, %dma_start3A, %dma_start3A_26] : memref<32x79x128xi32, #tpu.memory_space<hbm>> -> memref<1x79x128xi32, #tpu.memory_space<hbm>>
      %dma_start3A_28 = tpu.memref_squeeze %dma_start3A_27 : memref<1x79x128xi32, #tpu.memory_space<hbm>> -> memref<79x128xi32, #tpu.memory_space<hbm>>
      %dma_start3A_29 = arith.constant 0 : i32
      %dma_start3A_30 = arith.constant 0 : i32
      %dma_start3A_31 = tpu.memref_slice %arg3[%add3A, %dma_start3A_29, %dma_start3A_30] : memref<32x79x128xi32, #tpu.memory_space<hbm>> -> memref<1x79x128xi32, #tpu.memory_space<hbm>>
      %dma_start3A_32 = tpu.memref_squeeze %dma_start3A_31 : memref<1x79x128xi32, #tpu.memory_space<hbm>> -> memref<79x128xi32, #tpu.memory_space<hbm>>
      tpu.enqueue_dma source(%dma_start3A_32 : memref<79x128xi32, #tpu.memory_space<hbm>>) target(%arg6 : memref<79x128xi32, #tpu.memory_space<vmem>>) target_semaphore(%run_scoped3A : memref<!tpu.dma_semaphore, #tpu.memory_space<semaphore_mem>>)
      %dma_wait3A = arith.constant 0 : i32
      %dma_wait3A_33 = arith.constant 0 : i32
      %dma_wait3A_34 = tpu.memref_slice %arg3[%add3A, %dma_wait3A, %dma_wait3A_33] : memref<32x79x128xi32, #tpu.memory_space<hbm>> -> memref<1x79x128xi32, #tpu.memory_space<hbm>>
      %dma_wait3A_35 = tpu.memref_squeeze %dma_wait3A_34 : memref<1x79x128xi32, #tpu.memory_space<hbm>> -> memref<79x128xi32, #tpu.memory_space<hbm>>
      %dma_wait3A_36 = arith.constant 0 : i32
      %dma_wait3A_37 = arith.constant 0 : i32
      %dma_wait3A_38 = tpu.memref_slice %arg3[%add3A, %dma_wait3A_36, %dma_wait3A_37] : memref<32x79x128xi32, #tpu.memory_space<hbm>> -> memref<1x79x128xi32, #tpu.memory_space<hbm>>
      %dma_wait3A_39 = tpu.memref_squeeze %dma_wait3A_38 : memref<1x79x128xi32, #tpu.memory_space<hbm>> -> memref<79x128xi32, #tpu.memory_space<hbm>>
      tpu.wait_dma2 semaphore(%run_scoped3A : memref<!tpu.dma_semaphore, #tpu.memory_space<semaphore_mem>>) src(%dma_wait3A_39 : memref<79x128xi32, #tpu.memory_space<hbm>>) dst(%arg6 : memref<79x128xi32, #tpu.memory_space<vmem>>)
      tpu.yield
    }) : () -> ()
    "tpu.region"() ({
      %run_scoped3A = tpu.sem_alloc : memref<!tpu.dma_semaphore, #tpu.memory_space<semaphore_mem>>
      %dma_start3A = arith.constant 0 : i32
      %dma_start3A_26 = arith.constant 0 : i32
      %dma_start3A_27 = tpu.memref_slice %arg4[%add3A, %dma_start3A, %dma_start3A_26] : memref<32x79x128xi32, #tpu.memory_space<hbm>> -> memref<1x79x128xi32, #tpu.memory_space<hbm>>
      %dma_start3A_28 = tpu.memref_squeeze %dma_start3A_27 : memref<1x79x128xi32, #tpu.memory_space<hbm>> -> memref<79x128xi32, #tpu.memory_space<hbm>>
      %dma_start3A_29 = arith.constant 0 : i32
      %dma_start3A_30 = arith.constant 0 : i32
      %dma_start3A_31 = tpu.memref_slice %arg4[%add3A, %dma_start3A_29, %dma_start3A_30] : memref<32x79x128xi32, #tpu.memory_space<hbm>> -> memref<1x79x128xi32, #tpu.memory_space<hbm>>
      %dma_start3A_32 = tpu.memref_squeeze %dma_start3A_31 : memref<1x79x128xi32, #tpu.memory_space<hbm>> -> memref<79x128xi32, #tpu.memory_space<hbm>>
      tpu.enqueue_dma source(%dma_start3A_32 : memref<79x128xi32, #tpu.memory_space<hbm>>) target(%arg7 : memref<79x128xi32, #tpu.memory_space<vmem>>) target_semaphore(%run_scoped3A : memref<!tpu.dma_semaphore, #tpu.memory_space<semaphore_mem>>)
      %dma_wait3A = arith.constant 0 : i32
      %dma_wait3A_33 = arith.constant 0 : i32
      %dma_wait3A_34 = tpu.memref_slice %arg4[%add3A, %dma_wait3A, %dma_wait3A_33] : memref<32x79x128xi32, #tpu.memory_space<hbm>> -> memref<1x79x128xi32, #tpu.memory_space<hbm>>
      %dma_wait3A_35 = tpu.memref_squeeze %dma_wait3A_34 : memref<1x79x128xi32, #tpu.memory_space<hbm>> -> memref<79x128xi32, #tpu.memory_space<hbm>>
      %dma_wait3A_36 = arith.constant 0 : i32
      %dma_wait3A_37 = arith.constant 0 : i32
      %dma_wait3A_38 = tpu.memref_slice %arg4[%add3A, %dma_wait3A_36, %dma_wait3A_37] : memref<32x79x128xi32, #tpu.memory_space<hbm>> -> memref<1x79x128xi32, #tpu.memory_space<hbm>>
      %dma_wait3A_39 = tpu.memref_squeeze %dma_wait3A_38 : memref<1x79x128xi32, #tpu.memory_space<hbm>> -> memref<79x128xi32, #tpu.memory_space<hbm>>
      tpu.wait_dma2 semaphore(%run_scoped3A : memref<!tpu.dma_semaphore, #tpu.memory_space<semaphore_mem>>) src(%dma_wait3A_39 : memref<79x128xi32, #tpu.memory_space<hbm>>) dst(%arg7 : memref<79x128xi32, #tpu.memory_space<vmem>>)
      tpu.yield
    }) : () -> ()
    %scan3A_14 = arith.constant 0 : i32
    %scan3A_15 = arith.constant 0 : i32
    %scan3A_16 = arith.constant 79 : i32
    %scan3A_17 = arith.addi %scan3A_15, %scan3A_16 : i32
    %scan3A_18 = arith.constant 1 : i32
    %scan3A_19 = scf.for %scan3A_26 = %scan3A_15 to %scan3A_17 step %scan3A_18 iter_args(%scan3A_27 = %scan3A_14) -> (i32)  : i32 {
      %dma_start3A = arith.constant 0 : i32
      %dma_start3A_28 = tpu.memref_slice %arg6[%scan3A_26, %dma_start3A] : memref<79x128xi32, #tpu.memory_space<vmem>> -> memref<1x128xi32, #tpu.memory_space<vmem>>
      %dma_start3A_29 = tpu.memref_squeeze %dma_start3A_28 : memref<1x128xi32, #tpu.memory_space<vmem>> -> memref<128xi32, #tpu.memory_space<vmem>>
      %dma_start3A_30 = arith.constant 0 : i32
      %dma_start3A_31 = arith.constant 0 : i32
      %dma_start3A_32 = tpu.memref_slice %arg2[%dma_start3A_30, %dma_start3A_31] : memref<10240x128xf32, #tpu.memory_space<hbm>> -> memref<10240x128xf32, #tpu.memory_space<hbm>>
      tpu.enqueue_indirect_dma source(%dma_start3A_32 : memref<10240x128xf32, #tpu.memory_space<hbm>>) target(%arg8 : memref<128x128xf32, #tpu.memory_space<vmem>>) offsets(%dma_start3A_29 : memref<128xi32, #tpu.memory_space<vmem>>) semaphore(%arg11 : memref<!tpu.dma_semaphore, #tpu.memory_space<semaphore_mem>>)
      %dma_wait3A = arith.constant 0 : i32
      %dma_wait3A_33 = tpu.memref_slice %arg6[%scan3A_26, %dma_wait3A] : memref<79x128xi32, #tpu.memory_space<vmem>> -> memref<1x128xi32, #tpu.memory_space<vmem>>
      %dma_wait3A_34 = tpu.memref_squeeze %dma_wait3A_33 : memref<1x128xi32, #tpu.memory_space<vmem>> -> memref<128xi32, #tpu.memory_space<vmem>>
      %dma_wait3A_35 = arith.constant 0 : i32
      %dma_wait3A_36 = arith.constant 0 : i32
      %dma_wait3A_37 = tpu.memref_slice %arg2[%dma_wait3A_35, %dma_wait3A_36] : memref<10240x128xf32, #tpu.memory_space<hbm>> -> memref<10240x128xf32, #tpu.memory_space<hbm>>
      tpu.wait_indirect_dma semaphore(%arg11 : memref<!tpu.dma_semaphore, #tpu.memory_space<semaphore_mem>>) src(%dma_wait3A_37 : memref<10240x128xf32, #tpu.memory_space<hbm>>) dst(%arg8 : memref<128x128xf32, #tpu.memory_space<vmem>>)
      "tpu.region"() ({
        %run_scoped3A = tpu.sem_alloc : memref<!tpu.dma_semaphore, #tpu.memory_space<semaphore_mem>>
        %dma_start3A_39 = arith.constant 0 : i32
        %dma_start3A_40 = tpu.memref_slice %arg7[%scan3A_26, %dma_start3A_39] : memref<79x128xi32, #tpu.memory_space<vmem>> -> memref<1x128xi32, #tpu.memory_space<vmem>>
        %dma_start3A_41 = tpu.memref_squeeze %dma_start3A_40 : memref<1x128xi32, #tpu.memory_space<vmem>> -> memref<128xi32, #tpu.memory_space<vmem>>
        %dma_start3A_42 = arith.constant 0 : i32
        %dma_start3A_43 = arith.constant 0 : i32
        %dma_start3A_44 = tpu.memref_slice %arg10[%dma_start3A_42, %dma_start3A_43] : memref<10240x128xf32, #tpu.memory_space<vmem_shared>> -> memref<10240x128xf32, #tpu.memory_space<vmem_shared>>
        tpu.enqueue_indirect_dma source(%arg8 : memref<128x128xf32, #tpu.memory_space<vmem>>) target(%dma_start3A_44 : memref<10240x128xf32, #tpu.memory_space<vmem_shared>>) offsets(%dma_start3A_41 : memref<128xi32, #tpu.memory_space<vmem>>) semaphore(%run_scoped3A : memref<!tpu.dma_semaphore, #tpu.memory_space<semaphore_mem>>) {add = true}
        %dma_wait3A_45 = arith.constant 0 : i32
        %dma_wait3A_46 = tpu.memref_slice %arg7[%scan3A_26, %dma_wait3A_45] : memref<79x128xi32, #tpu.memory_space<vmem>> -> memref<1x128xi32, #tpu.memory_space<vmem>>
        %dma_wait3A_47 = tpu.memref_squeeze %dma_wait3A_46 : memref<1x128xi32, #tpu.memory_space<vmem>> -> memref<128xi32, #tpu.memory_space<vmem>>
        %dma_wait3A_48 = arith.constant 0 : i32
        %dma_wait3A_49 = arith.constant 0 : i32
        %dma_wait3A_50 = tpu.memref_slice %arg10[%dma_wait3A_48, %dma_wait3A_49] : memref<10240x128xf32, #tpu.memory_space<vmem_shared>> -> memref<10240x128xf32, #tpu.memory_space<vmem_shared>>
        tpu.wait_indirect_dma semaphore(%run_scoped3A : memref<!tpu.dma_semaphore, #tpu.memory_space<semaphore_mem>>) src(%arg8 : memref<128x128xf32, #tpu.memory_space<vmem>>) dst(%dma_wait3A_50 : memref<10240x128xf32, #tpu.memory_space<vmem_shared>>)
        tpu.yield
      }) : () -> ()
      %scan3A_38 = arith.constant 0 : i32
      scf.yield %scan3A_38 : i32
    }
    %scan3A_20 = arith.constant 79 : i32
    %barrier3A_21 = arith.constant 0 : index
    tpu.barrier barrier_id(%barrier3A_21)
    %mul3A_22 = arith.constant 640 : i32
    %mul3A_23 = arith.muli %arg1, %mul3A_22 : i32
    %mul3A_24 = arith.constant 640 : i32
    %mul3A_25 = arith.muli %arg1, %mul3A_24 : i32
    "tpu.region"() ({
      %run_scoped3A = tpu.sem_alloc : memref<!tpu.dma_semaphore, #tpu.memory_space<semaphore_mem>>
      %dma_start3A = arith.constant 0 : i32
      %dma_start3A_26 = tpu.memref_slice %arg5[%arg0, %mul3A_25, %dma_start3A] : memref<2x10240x128xf32, #tpu.memory_space<hbm>> -> memref<1x640x128xf32, #tpu.memory_space<hbm>>
      %dma_start3A_27 = tpu.memref_squeeze %dma_start3A_26 : memref<1x640x128xf32, #tpu.memory_space<hbm>> -> memref<640x128xf32, #tpu.memory_space<hbm>>
      %dma_start3A_28 = arith.constant 0 : i32
      %dma_start3A_29 = tpu.memref_slice %arg10[%mul3A_23, %dma_start3A_28] : memref<10240x128xf32, #tpu.memory_space<vmem_shared>> -> memref<640x128xf32, #tpu.memory_space<vmem_shared>>
      tpu.enqueue_dma source(%dma_start3A_29 : memref<640x128xf32, #tpu.memory_space<vmem_shared>>) target(%dma_start3A_27 : memref<640x128xf32, #tpu.memory_space<hbm>>) target_semaphore(%run_scoped3A : memref<!tpu.dma_semaphore, #tpu.memory_space<semaphore_mem>>)
      %dma_wait3A = arith.constant 0 : i32
      %dma_wait3A_30 = tpu.memref_slice %arg5[%arg0, %mul3A_25, %dma_wait3A] : memref<2x10240x128xf32, #tpu.memory_space<hbm>> -> memref<1x640x128xf32, #tpu.memory_space<hbm>>
      %dma_wait3A_31 = tpu.memref_squeeze %dma_wait3A_30 : memref<1x640x128xf32, #tpu.memory_space<hbm>> -> memref<640x128xf32, #tpu.memory_space<hbm>>
      %dma_wait3A_32 = arith.constant 0 : i32
      %dma_wait3A_33 = tpu.memref_slice %arg10[%mul3A_23, %dma_wait3A_32] : memref<10240x128xf32, #tpu.memory_space<vmem_shared>> -> memref<640x128xf32, #tpu.memory_space<vmem_shared>>
      tpu.wait_dma2 semaphore(%run_scoped3A : memref<!tpu.dma_semaphore, #tpu.memory_space<semaphore_mem>>) src(%dma_wait3A_33 : memref<640x128xf32, #tpu.memory_space<vmem_shared>>) dst(%dma_wait3A_31 : memref<640x128xf32, #tpu.memory_space<hbm>>)
      tpu.yield
    }) : () -> ()
    return
  }
}

#map = affine_map<(d0, d1) -> (0, 0)>
#map1 = affine_map<(d0, d1) -> (0, 0, 0)>
module attributes {stable_mosaic.version = 14 : i64} {
  func.func @scat_kernel(%arg0: i32, %arg1: i32, %arg2: memref<10240x128xf32, #tpu.memory_space<hbm>>, %arg3: memref<32x79x128xi32, #tpu.memory_space<hbm>>, %arg4: memref<32x79x128xi32, #tpu.memory_space<hbm>>, %arg5: memref<2x10240x128xf32, #tpu.memory_space<hbm>>, %arg6: memref<79x128xi32, #tpu.memory_space<vmem>>, %arg7: memref<79x128xi32, #tpu.memory_space<vmem>>, %arg8: memref<128x128xf32, #tpu.memory_space<vmem>>, %arg9: memref<64x128xf32, #tpu.memory_space<vmem>>, %arg10: memref<10240x128xf32, #tpu.memory_space<vmem_shared>>, %arg11: memref<!tpu.dma_semaphore, #tpu.memory_space<semaphore_mem>>) attributes {dimension_semantics = [#tpu.dimension_semantics<core_parallel>, #tpu.dimension_semantics<subcore_parallel>], iteration_bounds = array<i64: 2, 16>, scalar_prefetch = 0 : i64, scratch_operands = 6 : i64, tpu.core_type = #tpu.core_type<sc_vector_subcore>, window_params = [{transform_indices = #map}, {transform_indices = #map1}, {transform_indices = #map1}, {transform_indices = #map1}]} {
    %mul3A = arith.constant 16 : i32
    %mul3A_0 = arith.muli %arg0, %mul3A : i32
    %add3A = arith.addi %mul3A_0, %arg1 : i32
    %scan3A = arith.constant 0 : i32
    %scan3A_1 = arith.constant 0 : i32
    %scan3A_2 = arith.constant 512 : i32
    %scan3A_3 = arith.addi %scan3A_1, %scan3A_2 : i32
    %scan3A_4 = arith.constant 1 : i32
    %scan3A_5 = scf.for %scan3A_26 = %scan3A_1 to %scan3A_3 step %scan3A_4 iter_args(%scan3A_27 = %scan3A) -> (i32)  : i32 {
      %jit3A = arith.constant 8 : i32
      %div3A = arith.divsi %scan3A_26, %jit3A : i32
      %sign3A = arith.constant 0 : i32
      %sign3A_28 = arith.cmpi sgt, %scan3A_26, %sign3A : i32
      %sign3A_29 = arith.extui %sign3A_28 : i1 to i32
      %sign3A_30 = arith.constant 0 : i32
      %sign3A_31 = arith.cmpi slt, %scan3A_26, %sign3A_30 : i32
      %sign3A_32 = arith.extui %sign3A_31 : i1 to i32
      %sign3A_33 = arith.subi %sign3A_29, %sign3A_32 : i32
      %sign3A_34 = arith.constant 0 : i32
      %sign3A_35 = arith.cmpi sgt, %jit3A, %sign3A_34 : i32
      %sign3A_36 = arith.extui %sign3A_35 : i1 to i32
      %sign3A_37 = arith.constant 0 : i32
      %sign3A_38 = arith.cmpi slt, %jit3A, %sign3A_37 : i32
      %sign3A_39 = arith.extui %sign3A_38 : i1 to i32
      %sign3A_40 = arith.subi %sign3A_36, %sign3A_39 : i32
      %ne3A = arith.cmpi ne, %sign3A_33, %sign3A_40 : i32
      %rem3A = arith.remsi %scan3A_26, %jit3A : i32
      %ne3A_41 = arith.constant 0 : i32
      %ne3A_42 = arith.cmpi ne, %rem3A, %ne3A_41 : i32
      %and3A = arith.andi %ne3A, %ne3A_42 : i1
      %sub3A = arith.constant 1 : i32
      %sub3A_43 = arith.subi %div3A, %sub3A : i32
      %select_n3A = arith.select %and3A, %sub3A_43, %div3A : i32
      %jit3A_44 = arith.constant 8 : i32
      %eq3A = arith.constant 0 : i32
      %eq3A_45 = arith.cmpi eq, %jit3A_44, %eq3A : i32
      %jit3A_46 = arith.constant 1 : i32
      %select_n3A_47 = arith.select %eq3A_45, %jit3A_46, %jit3A_44 : i32
      %rem3A_48 = arith.remsi %scan3A_26, %select_n3A_47 : i32
      %ne3A_49 = arith.constant 0 : i32
      %ne3A_50 = arith.cmpi ne, %rem3A_48, %ne3A_49 : i32
      %lt3A = arith.constant 0 : i32
      %lt3A_51 = arith.cmpi slt, %rem3A_48, %lt3A : i32
      %lt3A_52 = arith.constant 0 : i32
      %lt3A_53 = arith.cmpi slt, %select_n3A_47, %lt3A_52 : i32
      %ne3A_54 = arith.xori %lt3A_51, %lt3A_53 : i1
      %and3A_55 = arith.andi %ne3A_54, %ne3A_50 : i1
      %add3A_56 = arith.addi %rem3A_48, %select_n3A_47 : i32
      %select_n3A_57 = arith.select %and3A_55, %add3A_56, %rem3A_48 : i32
      %broadcast_in_dim3A = arith.constant 0.000000e+00 : f32
      %broadcast_in_dim3A_58 = vector.broadcast %broadcast_in_dim3A : f32 to vector<16xf32>
      %mul3A_59 = arith.constant 16 : i32
      %mul3A_60 = arith.muli %select_n3A_57, %mul3A_59 : i32
      %swap3A = arith.index_cast %select_n3A : i32 to index
      %swap3A_61 = arith.index_cast %mul3A_60 : i32 to index
      %swap3A_62 = tpu.vector_load %arg9[%swap3A, %swap3A_61] {strides = array<i32>} : memref<64x128xf32, #tpu.memory_space<vmem>>, vector<1x16xf32>,
      %swap3A_63 = vector.shape_cast %swap3A_62 : vector<1x16xf32> to vector<16xf32>
      %swap3A_64 = vector.shape_cast %broadcast_in_dim3A_58 : vector<16xf32> to vector<1x16xf32>
      tpu.vector_store %arg9[%swap3A, %swap3A_61], %swap3A_64 {strides = array<i32>} : memref<64x128xf32, #tpu.memory_space<vmem>>, vector<1x16xf32>,
      %scan3A_65 = arith.constant 0 : i32
      scf.yield %scan3A_65 : i32
    }
    %scan3A_6 = arith.constant 512 : i32
    %scan3A_7 = arith.constant 0 : i32
    %scan3A_8 = arith.constant 0 : i32
    %scan3A_9 = arith.constant 10 : i32
    %scan3A_10 = arith.addi %scan3A_8, %scan3A_9 : i32
    %scan3A_11 = arith.constant 1 : i32
    %scan3A_12 = scf.for %scan3A_26 = %scan3A_8 to %scan3A_10 step %scan3A_11 iter_args(%scan3A_27 = %scan3A_7) -> (i32)  : i32 {
      %mul3A_28 = arith.constant 640 : i32
      %mul3A_29 = arith.muli %arg1, %mul3A_28 : i32
      %mul3A_30 = arith.constant 64 : i32
      %mul3A_31 = arith.muli %scan3A_26, %mul3A_30 : i32
      %add3A_32 = arith.addi %mul3A_29, %mul3A_31 : i32
      "tpu.region"() ({
        %run_scoped3A = tpu.sem_alloc : memref<!tpu.dma_semaphore, #tpu.memory_space<semaphore_mem>>
        %dma_start3A = arith.constant 0 : i32
        %dma_start3A_34 = tpu.memref_slice %arg10[%add3A_32, %dma_start3A] : memref<10240x128xf32, #tpu.memory_space<vmem_shared>> -> memref<64x128xf32, #tpu.memory_space<vmem_shared>>
        %dma_start3A_35 = arith.constant 0 : i32
        %dma_start3A_36 = tpu.memref_slice %arg10[%add3A_32, %dma_start3A_35] : memref<10240x128xf32, #tpu.memory_space<vmem_shared>> -> memref<64x128xf32, #tpu.memory_space<vmem_shared>>
        tpu.enqueue_dma source(%arg9 : memref<64x128xf32, #tpu.memory_space<vmem>>) target(%dma_start3A_36 : memref<64x128xf32, #tpu.memory_space<vmem_shared>>) target_semaphore(%run_scoped3A : memref<!tpu.dma_semaphore, #tpu.memory_space<semaphore_mem>>)
        %dma_wait3A = arith.constant 0 : i32
        %dma_wait3A_37 = tpu.memref_slice %arg10[%add3A_32, %dma_wait3A] : memref<10240x128xf32, #tpu.memory_space<vmem_shared>> -> memref<64x128xf32, #tpu.memory_space<vmem_shared>>
        %dma_wait3A_38 = arith.constant 0 : i32
        %dma_wait3A_39 = tpu.memref_slice %arg10[%add3A_32, %dma_wait3A_38] : memref<10240x128xf32, #tpu.memory_space<vmem_shared>> -> memref<64x128xf32, #tpu.memory_space<vmem_shared>>
        tpu.wait_dma2 semaphore(%run_scoped3A : memref<!tpu.dma_semaphore, #tpu.memory_space<semaphore_mem>>) src(%arg9 : memref<64x128xf32, #tpu.memory_space<vmem>>) dst(%dma_wait3A_39 : memref<64x128xf32, #tpu.memory_space<vmem_shared>>)
        tpu.yield
      }) : () -> ()
      %scan3A_33 = arith.constant 0 : i32
      scf.yield %scan3A_33 : i32
    }
    %scan3A_13 = arith.constant 10 : i32
    %barrier3A = arith.constant 0 : index
    tpu.barrier barrier_id(%barrier3A)
    "tpu.region"() ({
      %run_scoped3A = tpu.sem_alloc : memref<!tpu.dma_semaphore, #tpu.memory_space<semaphore_mem>>
      %dma_start3A = arith.constant 0 : i32
      %dma_start3A_26 = arith.constant 0 : i32
      %dma_start3A_27 = tpu.memref_slice %arg3[%add3A, %dma_start3A, %dma_start3A_26] : memref<32x79x128xi32, #tpu.memory_space<hbm>> -> memref<1x79x128xi32, #tpu.memory_space<hbm>>
      %dma_start3A_28 = tpu.memref_squeeze %dma_start3A_27 : memref<1x79x128xi32, #tpu.memory_space<hbm>> -> memref<79x128xi32, #tpu.memory_space<hbm>>
      %dma_start3A_29 = arith.constant 0 : i32
      %dma_start3A_30 = arith.constant 0 : i32
      %dma_start3A_31 = tpu.memref_slice %arg3[%add3A, %dma_start3A_29, %dma_start3A_30] : memref<32x79x128xi32, #tpu.memory_space<hbm>> -> memref<1x79x128xi32, #tpu.memory_space<hbm>>
      %dma_start3A_32 = tpu.memref_squeeze %dma_start3A_31 : memref<1x79x128xi32, #tpu.memory_space<hbm>> -> memref<79x128xi32, #tpu.memory_space<hbm>>
      tpu.enqueue_dma source(%dma_start3A_32 : memref<79x128xi32, #tpu.memory_space<hbm>>) target(%arg6 : memref<79x128xi32, #tpu.memory_space<vmem>>) target_semaphore(%run_scoped3A : memref<!tpu.dma_semaphore, #tpu.memory_space<semaphore_mem>>)
      %dma_wait3A = arith.constant 0 : i32
      %dma_wait3A_33 = arith.constant 0 : i32
      %dma_wait3A_34 = tpu.memref_slice %arg3[%add3A, %dma_wait3A, %dma_wait3A_33] : memref<32x79x128xi32, #tpu.memory_space<hbm>> -> memref<1x79x128xi32, #tpu.memory_space<hbm>>
      %dma_wait3A_35 = tpu.memref_squeeze %dma_wait3A_34 : memref<1x79x128xi32, #tpu.memory_space<hbm>> -> memref<79x128xi32, #tpu.memory_space<hbm>>
      %dma_wait3A_36 = arith.constant 0 : i32
      %dma_wait3A_37 = arith.constant 0 : i32
      %dma_wait3A_38 = tpu.memref_slice %arg3[%add3A, %dma_wait3A_36, %dma_wait3A_37] : memref<32x79x128xi32, #tpu.memory_space<hbm>> -> memref<1x79x128xi32, #tpu.memory_space<hbm>>
      %dma_wait3A_39 = tpu.memref_squeeze %dma_wait3A_38 : memref<1x79x128xi32, #tpu.memory_space<hbm>> -> memref<79x128xi32, #tpu.memory_space<hbm>>
      tpu.wait_dma2 semaphore(%run_scoped3A : memref<!tpu.dma_semaphore, #tpu.memory_space<semaphore_mem>>) src(%dma_wait3A_39 : memref<79x128xi32, #tpu.memory_space<hbm>>) dst(%arg6 : memref<79x128xi32, #tpu.memory_space<vmem>>)
      tpu.yield
    }) : () -> ()
    "tpu.region"() ({
      %run_scoped3A = tpu.sem_alloc : memref<!tpu.dma_semaphore, #tpu.memory_space<semaphore_mem>>
      %dma_start3A = arith.constant 0 : i32
      %dma_start3A_26 = arith.constant 0 : i32
      %dma_start3A_27 = tpu.memref_slice %arg4[%add3A, %dma_start3A, %dma_start3A_26] : memref<32x79x128xi32, #tpu.memory_space<hbm>> -> memref<1x79x128xi32, #tpu.memory_space<hbm>>
      %dma_start3A_28 = tpu.memref_squeeze %dma_start3A_27 : memref<1x79x128xi32, #tpu.memory_space<hbm>> -> memref<79x128xi32, #tpu.memory_space<hbm>>
      %dma_start3A_29 = arith.constant 0 : i32
      %dma_start3A_30 = arith.constant 0 : i32
      %dma_start3A_31 = tpu.memref_slice %arg4[%add3A, %dma_start3A_29, %dma_start3A_30] : memref<32x79x128xi32, #tpu.memory_space<hbm>> -> memref<1x79x128xi32, #tpu.memory_space<hbm>>
      %dma_start3A_32 = tpu.memref_squeeze %dma_start3A_31 : memref<1x79x128xi32, #tpu.memory_space<hbm>> -> memref<79x128xi32, #tpu.memory_space<hbm>>
      tpu.enqueue_dma source(%dma_start3A_32 : memref<79x128xi32, #tpu.memory_space<hbm>>) target(%arg7 : memref<79x128xi32, #tpu.memory_space<vmem>>) target_semaphore(%run_scoped3A : memref<!tpu.dma_semaphore, #tpu.memory_space<semaphore_mem>>)
      %dma_wait3A = arith.constant 0 : i32
      %dma_wait3A_33 = arith.constant 0 : i32
      %dma_wait3A_34 = tpu.memref_slice %arg4[%add3A, %dma_wait3A, %dma_wait3A_33] : memref<32x79x128xi32, #tpu.memory_space<hbm>> -> memref<1x79x128xi32, #tpu.memory_space<hbm>>
      %dma_wait3A_35 = tpu.memref_squeeze %dma_wait3A_34 : memref<1x79x128xi32, #tpu.memory_space<hbm>> -> memref<79x128xi32, #tpu.memory_space<hbm>>
      %dma_wait3A_36 = arith.constant 0 : i32
      %dma_wait3A_37 = arith.constant 0 : i32
      %dma_wait3A_38 = tpu.memref_slice %arg4[%add3A, %dma_wait3A_36, %dma_wait3A_37] : memref<32x79x128xi32, #tpu.memory_space<hbm>> -> memref<1x79x128xi32, #tpu.memory_space<hbm>>
      %dma_wait3A_39 = tpu.memref_squeeze %dma_wait3A_38 : memref<1x79x128xi32, #tpu.memory_space<hbm>> -> memref<79x128xi32, #tpu.memory_space<hbm>>
      tpu.wait_dma2 semaphore(%run_scoped3A : memref<!tpu.dma_semaphore, #tpu.memory_space<semaphore_mem>>) src(%dma_wait3A_39 : memref<79x128xi32, #tpu.memory_space<hbm>>) dst(%arg7 : memref<79x128xi32, #tpu.memory_space<vmem>>)
      tpu.yield
    }) : () -> ()
    %scan3A_14 = arith.constant 0 : i32
    %scan3A_15 = arith.constant 0 : i32
    %scan3A_16 = arith.constant 79 : i32
    %scan3A_17 = arith.addi %scan3A_15, %scan3A_16 : i32
    %scan3A_18 = arith.constant 1 : i32
    %scan3A_19 = scf.for %scan3A_26 = %scan3A_15 to %scan3A_17 step %scan3A_18 iter_args(%scan3A_27 = %scan3A_14) -> (i32)  : i32 {
      %dma_start3A = arith.constant 0 : i32
      %dma_start3A_28 = tpu.memref_slice %arg6[%scan3A_26, %dma_start3A] : memref<79x128xi32, #tpu.memory_space<vmem>> -> memref<1x128xi32, #tpu.memory_space<vmem>>
      %dma_start3A_29 = tpu.memref_squeeze %dma_start3A_28 : memref<1x128xi32, #tpu.memory_space<vmem>> -> memref<128xi32, #tpu.memory_space<vmem>>
      %dma_start3A_30 = arith.constant 0 : i32
      %dma_start3A_31 = arith.constant 0 : i32
      %dma_start3A_32 = tpu.memref_slice %arg2[%dma_start3A_30, %dma_start3A_31] : memref<10240x128xf32, #tpu.memory_space<hbm>> -> memref<10240x128xf32, #tpu.memory_space<hbm>>
      tpu.enqueue_indirect_dma source(%dma_start3A_32 : memref<10240x128xf32, #tpu.memory_space<hbm>>) target(%arg8 : memref<128x128xf32, #tpu.memory_space<vmem>>) offsets(%dma_start3A_29 : memref<128xi32, #tpu.memory_space<vmem>>) semaphore(%arg11 : memref<!tpu.dma_semaphore, #tpu.memory_space<semaphore_mem>>)
      %dma_wait3A = arith.constant 0 : i32
      %dma_wait3A_33 = tpu.memref_slice %arg6[%scan3A_26, %dma_wait3A] : memref<79x128xi32, #tpu.memory_space<vmem>> -> memref<1x128xi32, #tpu.memory_space<vmem>>
      %dma_wait3A_34 = tpu.memref_squeeze %dma_wait3A_33 : memref<1x128xi32, #tpu.memory_space<vmem>> -> memref<128xi32, #tpu.memory_space<vmem>>
      %dma_wait3A_35 = arith.constant 0 : i32
      %dma_wait3A_36 = arith.constant 0 : i32
      %dma_wait3A_37 = tpu.memref_slice %arg2[%dma_wait3A_35, %dma_wait3A_36] : memref<10240x128xf32, #tpu.memory_space<hbm>> -> memref<10240x128xf32, #tpu.memory_space<hbm>>
      tpu.wait_indirect_dma semaphore(%arg11 : memref<!tpu.dma_semaphore, #tpu.memory_space<semaphore_mem>>) src(%dma_wait3A_37 : memref<10240x128xf32, #tpu.memory_space<hbm>>) dst(%arg8 : memref<128x128xf32, #tpu.memory_space<vmem>>)
      "tpu.region"() ({
        %run_scoped3A = tpu.sem_alloc : memref<!tpu.dma_semaphore, #tpu.memory_space<semaphore_mem>>
        %dma_start3A_39 = arith.constant 0 : i32
        %dma_start3A_40 = tpu.memref_slice %arg7[%scan3A_26, %dma_start3A_39] : memref<79x128xi32, #tpu.memory_space<vmem>> -> memref<1x128xi32, #tpu.memory_space<vmem>>
        %dma_start3A_41 = tpu.memref_squeeze %dma_start3A_40 : memref<1x128xi32, #tpu.memory_space<vmem>> -> memref<128xi32, #tpu.memory_space<vmem>>
        %dma_start3A_42 = arith.constant 0 : i32
        %dma_start3A_43 = arith.constant 0 : i32
        %dma_start3A_44 = tpu.memref_slice %arg10[%dma_start3A_42, %dma_start3A_43] : memref<10240x128xf32, #tpu.memory_space<vmem_shared>> -> memref<10240x128xf32, #tpu.memory_space<vmem_shared>>
        tpu.enqueue_indirect_dma source(%arg8 : memref<128x128xf32, #tpu.memory_space<vmem>>) target(%dma_start3A_44 : memref<10240x128xf32, #tpu.memory_space<vmem_shared>>) offsets(%dma_start3A_41 : memref<128xi32, #tpu.memory_space<vmem>>) semaphore(%run_scoped3A : memref<!tpu.dma_semaphore, #tpu.memory_space<semaphore_mem>>) {add = true}
        %dma_wait3A_45 = arith.constant 0 : i32
        %dma_wait3A_46 = tpu.memref_slice %arg7[%scan3A_26, %dma_wait3A_45] : memref<79x128xi32, #tpu.memory_space<vmem>> -> memref<1x128xi32, #tpu.memory_space<vmem>>
        %dma_wait3A_47 = tpu.memref_squeeze %dma_wait3A_46 : memref<1x128xi32, #tpu.memory_space<vmem>> -> memref<128xi32, #tpu.memory_space<vmem>>
        %dma_wait3A_48 = arith.constant 0 : i32
        %dma_wait3A_49 = arith.constant 0 : i32
        %dma_wait3A_50 = tpu.memref_slice %arg10[%dma_wait3A_48, %dma_wait3A_49] : memref<10240x128xf32, #tpu.memory_space<vmem_shared>> -> memref<10240x128xf32, #tpu.memory_space<vmem_shared>>
        tpu.wait_indirect_dma semaphore(%run_scoped3A : memref<!tpu.dma_semaphore, #tpu.memory_space<semaphore_mem>>) src(%arg8 : memref<128x128xf32, #tpu.memory_space<vmem>>) dst(%dma_wait3A_50 : memref<10240x128xf32, #tpu.memory_space<vmem_shared>>)
        tpu.yield
      }) : () -> ()
      %scan3A_38 = arith.constant 0 : i32
      scf.yield %scan3A_38 : i32
    }
    %scan3A_20 = arith.constant 79 : i32
    %barrier3A_21 = arith.constant 0 : index
    tpu.barrier barrier_id(%barrier3A_21)
    %mul3A_22 = arith.constant 640 : i32
    %mul3A_23 = arith.muli %arg1, %mul3A_22 : i32
    %mul3A_24 = arith.constant 640 : i32
    %mul3A_25 = arith.muli %arg1, %mul3A_24 : i32
    "tpu.region"() ({
      %run_scoped3A = tpu.sem_alloc : memref<!tpu.dma_semaphore, #tpu.memory_space<semaphore_mem>>
      %dma_start3A = arith.constant 0 : i32
      %dma_start3A_26 = tpu.memref_slice %arg5[%arg0, %mul3A_25, %dma_start3A] : memref<2x10240x128xf32, #tpu.memory_space<hbm>> -> memref<1x640x128xf32, #tpu.memory_space<hbm>>
      %dma_start3A_27 = tpu.memref_squeeze %dma_start3A_26 : memref<1x640x128xf32, #tpu.memory_space<hbm>> -> memref<640x128xf32, #tpu.memory_space<hbm>>
      %dma_start3A_28 = arith.constant 0 : i32
      %dma_start3A_29 = tpu.memref_slice %arg10[%mul3A_23, %dma_start3A_28] : memref<10240x128xf32, #tpu.memory_space<vmem_shared>> -> memref<640x128xf32, #tpu.memory_space<vmem_shared>>
      tpu.enqueue_dma source(%dma_start3A_29 : memref<640x128xf32, #tpu.memory_space<vmem_shared>>) target(%dma_start3A_27 : memref<640x128xf32, #tpu.memory_space<hbm>>) target_semaphore(%run_scoped3A : memref<!tpu.dma_semaphore, #tpu.memory_space<semaphore_mem>>)
      %dma_wait3A = arith.constant 0 : i32
      %dma_wait3A_30 = tpu.memref_slice %arg5[%arg0, %mul3A_25, %dma_wait3A] : memref<2x10240x128xf32, #tpu.memory_space<hbm>> -> memref<1x640x128xf32, #tpu.memory_space<hbm>>
      %dma_wait3A_31 = tpu.memref_squeeze %dma_wait3A_30 : memref<1x640x128xf32, #tpu.memory_space<hbm>> -> memref<640x128xf32, #tpu.memory_space<hbm>>
      %dma_wait3A_32 = arith.constant 0 : i32
      %dma_wait3A_33 = tpu.memref_slice %arg10[%mul3A_23, %dma_wait3A_32] : memref<10240x128xf32, #tpu.memory_space<vmem_shared>> -> memref<640x128xf32, #tpu.memory_space<vmem_shared>>
      tpu.wait_dma2 semaphore(%run_scoped3A : memref<!tpu.dma_semaphore, #tpu.memory_space<semaphore_mem>>) src(%dma_wait3A_33 : memref<640x128xf32, #tpu.memory_space<vmem_shared>>) dst(%dma_wait3A_31 : memref<640x128xf32, #tpu.memory_space<hbm>>)
      tpu.yield
    }) : () -> ()
    return
  }
}

module attributes {stable_mosaic.version = 14 : i64} {
  func.func @body(%arg0: memref<10240x128xf32, #tpu.memory_space<vmem>>, %arg1: memref<128x128xf32, #tpu.memory_space<vmem>>, %arg2: memref<2x10240x128xf32, #tpu.memory_space<vmem>>, %arg3: memref<10240x128xf32, #tpu.memory_space<vmem>>, %arg4: memref<10240x1xf32, #tpu.memory_space<vmem>>) attributes {dimension_semantics = [], scalar_prefetch = 0 : i64, scratch_operands = 0 : i64, tpu.core_type = #tpu.core_type<tc>} {
    %get3A = arith.constant 0 : index
    %get3A_0 = arith.constant 0 : index
    %get3A_1 = arith.constant 0 : index
    %get3A_2 = vector.load %arg2[%get3A, %get3A_0, %get3A_1] : memref<2x10240x128xf32, #tpu.memory_space<vmem>>, vector<1x10240x1xf32>
    %get3A_3 = vector.shape_cast %get3A_2 : vector<1x10240x1xf32> to vector<10240x1xf32>
    %get3A_4 = arith.constant 1 : index
    %get3A_5 = arith.constant 0 : index
    %get3A_6 = arith.constant 0 : index
    %get3A_7 = vector.load %arg2[%get3A_4, %get3A_5, %get3A_6] : memref<2x10240x128xf32, #tpu.memory_space<vmem>>, vector<1x10240x1xf32>
    %get3A_8 = vector.shape_cast %get3A_7 : vector<1x10240x1xf32> to vector<10240x1xf32>
    %add3A = arith.addf %get3A_3, %get3A_8 : vector<10240x1xf32>
    %add3A_9 = arith.constant 1.000000e+00 : f32
    %add3A_10 = vector.broadcast %add3A_9 : f32 to vector<10240x1xf32>
    %add3A_11 = arith.addf %add3A, %add3A_10 : vector<10240x1xf32>
    %max3A = arith.constant 9.99999996E-13 : f32
    %max3A_12 = vector.broadcast %max3A : f32 to vector<10240x1xf32>
    %max3A_13 = arith.maximumf %add3A_11, %max3A_12 : vector<10240x1xf32>
    %rsqrt3A = math.rsqrt %max3A_13 : vector<10240x1xf32>
    %get3A_14 = arith.constant 0 : index
    %get3A_15 = arith.constant 0 : index
    %get3A_16 = vector.load %arg0[%get3A_14, %get3A_15] : memref<10240x128xf32, #tpu.memory_space<vmem>>, vector<10240x128xf32>
    %get3A_17 = arith.constant 0 : index
    %get3A_18 = arith.constant 0 : index
    %get3A_19 = vector.load %arg1[%get3A_17, %get3A_18] : memref<128x128xf32, #tpu.memory_space<vmem>>, vector<128x128xf32>
    %dot_general3A = arith.constant dense<0.000000e+00> : vector<10240x128xf32>
    %dot_general3A_20 = tpu.matmul %get3A_16, %get3A_19, %dot_general3A {dimension_numbers = #tpu.dot_dimension_numbers<[1], [0], [0], [1], [0, 0, 1, 1], [], []>, transpose_lhs_hint = false} : vector<10240x128xf32>, vector<128x128xf32>, vector<10240x128xf32> -> vector<10240x128xf32>
    %mul3A = vector.broadcast %rsqrt3A : vector<10240x1xf32> to vector<10240x128xf32>
    %mul3A_21 = arith.mulf %dot_general3A_20, %mul3A : vector<10240x128xf32>
    %swap3A = arith.constant 0 : index
    %swap3A_22 = arith.constant 0 : index
    %swap3A_23 = vector.load %arg3[%swap3A, %swap3A_22] : memref<10240x128xf32, #tpu.memory_space<vmem>>, vector<10240x128xf32>
    tpu.vector_store %arg3[%swap3A, %swap3A_22], %mul3A_21 {strides = array<i32>} : memref<10240x128xf32, #tpu.memory_space<vmem>>, vector<10240x128xf32>,
    %swap3A_24 = arith.constant 0 : index
    %swap3A_25 = arith.constant 0 : index
    %swap3A_26 = vector.load %arg4[%swap3A_24, %swap3A_25] : memref<10240x1xf32, #tpu.memory_space<vmem>>, vector<10240x1xf32>
    tpu.vector_store %arg4[%swap3A_24, %swap3A_25], %rsqrt3A {strides = array<i32>} : memref<10240x1xf32, #tpu.memory_space<vmem>>, vector<10240x1xf32>,
    return
  }
}

module attributes {stable_mosaic.version = 14 : i64} {
  func.func @body(%arg0: memref<2x10240x128xf32, #tpu.memory_space<vmem>>, %arg1: memref<10240x128xf32, #tpu.memory_space<vmem>>, %arg2: memref<10240x1xf32, #tpu.memory_space<vmem>>, %arg3: memref<1x128xf32, #tpu.memory_space<vmem>>, %arg4: memref<1x128xf32, #tpu.memory_space<vmem>>, %arg5: memref<1x128xf32, #tpu.memory_space<vmem>>, %arg6: memref<128x128xf32, #tpu.memory_space<vmem>>, %arg7: memref<10240x128xf32, #tpu.memory_space<vmem>>, %arg8: memref<10240x128xf32, #tpu.memory_space<vmem>>) attributes {dimension_semantics = [], scalar_prefetch = 0 : i64, scratch_operands = 0 : i64, tpu.core_type = #tpu.core_type<tc>} {
    %get3A = arith.constant 0 : index
    %get3A_0 = arith.constant 0 : index
    %get3A_1 = vector.load %arg2[%get3A, %get3A_0] : memref<10240x1xf32, #tpu.memory_space<vmem>>, vector<10240x1xf32>
    %get3A_2 = arith.constant 0 : index
    %get3A_3 = arith.constant 0 : index
    %get3A_4 = arith.constant 0 : index
    %get3A_5 = vector.load %arg0[%get3A_2, %get3A_3, %get3A_4] : memref<2x10240x128xf32, #tpu.memory_space<vmem>>, vector<1x10240x128xf32>
    %get3A_6 = vector.shape_cast %get3A_5 : vector<1x10240x128xf32> to vector<10240x128xf32>
    %get3A_7 = arith.constant 1 : index
    %get3A_8 = arith.constant 0 : index
    %get3A_9 = arith.constant 0 : index
    %get3A_10 = vector.load %arg0[%get3A_7, %get3A_8, %get3A_9] : memref<2x10240x128xf32, #tpu.memory_space<vmem>>, vector<1x10240x128xf32>
    %get3A_11 = vector.shape_cast %get3A_10 : vector<1x10240x128xf32> to vector<10240x128xf32>
    %add3A = arith.addf %get3A_6, %get3A_11 : vector<10240x128xf32>
    %get3A_12 = arith.constant 0 : index
    %get3A_13 = arith.constant 0 : index
    %get3A_14 = vector.load %arg1[%get3A_12, %get3A_13] : memref<10240x128xf32, #tpu.memory_space<vmem>>, vector<10240x128xf32>
    %add3A_15 = arith.addf %add3A, %get3A_14 : vector<10240x128xf32>
    %mul3A = vector.broadcast %get3A_1 : vector<10240x1xf32> to vector<10240x128xf32>
    %mul3A_16 = arith.mulf %add3A_15, %mul3A : vector<10240x128xf32>
    %get3A_17 = arith.constant 0 : index
    %get3A_18 = arith.constant 0 : index
    %get3A_19 = vector.load %arg3[%get3A_17, %get3A_18] : memref<1x128xf32, #tpu.memory_space<vmem>>, vector<1x128xf32>
    %add3A_20 = vector.broadcast %get3A_19 : vector<1x128xf32> to vector<10240x128xf32>
    %add3A_21 = arith.addf %mul3A_16, %add3A_20 : vector<10240x128xf32>
    %swap3A = arith.constant 0 : index
    %swap3A_22 = arith.constant 0 : index
    %swap3A_23 = vector.load %arg7[%swap3A, %swap3A_22] : memref<10240x128xf32, #tpu.memory_space<vmem>>, vector<10240x128xf32>
    tpu.vector_store %arg7[%swap3A, %swap3A_22], %add3A_21 {strides = array<i32>} : memref<10240x128xf32, #tpu.memory_space<vmem>>, vector<10240x128xf32>,
    %slice3A = vector.extract_strided_slice %add3A_21 {offsets = [0, 0], sizes = [10000, 128], strides = [1, 1]} : vector<10240x128xf32> to vector<10000x128xf32>
    %reduce_sum3A = arith.constant dense<0.000000e+00> : vector<128xf32>
    %reduce_sum3A_24 = vector.multi_reduction <add>, %slice3A, %reduce_sum3A [0] : vector<10000x128xf32> to vector<128xf32>
    %broadcast_in_dim3A = vector.shape_cast %reduce_sum3A_24 : vector<128xf32> to vector<1x128xf32>
    %div3A = arith.constant 1.000000e+04 : f32
    %div3A_25 = vector.broadcast %div3A : f32 to vector<1x128xf32>
    %div3A_26 = arith.divf %broadcast_in_dim3A, %div3A_25 : vector<1x128xf32>
    %sub3A = vector.broadcast %div3A_26 : vector<1x128xf32> to vector<10000x128xf32>
    %sub3A_27 = arith.subf %slice3A, %sub3A : vector<10000x128xf32>
    %square3A = arith.mulf %sub3A_27, %sub3A_27 : vector<10000x128xf32>
    %reduce_sum3A_28 = arith.constant dense<0.000000e+00> : vector<128xf32>
    %reduce_sum3A_29 = vector.multi_reduction <add>, %square3A, %reduce_sum3A_28 [0] : vector<10000x128xf32> to vector<128xf32>
    %broadcast_in_dim3A_30 = vector.shape_cast %reduce_sum3A_29 : vector<128xf32> to vector<1x128xf32>
    %div3A_31 = arith.constant 1.000000e+04 : f32
    %div3A_32 = vector.broadcast %div3A_31 : f32 to vector<1x128xf32>
    %div3A_33 = arith.divf %broadcast_in_dim3A_30, %div3A_32 : vector<1x128xf32>
    %sub3A_34 = vector.broadcast %div3A_26 : vector<1x128xf32> to vector<10240x128xf32>
    %sub3A_35 = arith.subf %add3A_21, %sub3A_34 : vector<10240x128xf32>
    %add3A_36 = arith.constant 9.99999974E-6 : f32
    %add3A_37 = vector.broadcast %add3A_36 : f32 to vector<1x128xf32>
    %add3A_38 = arith.addf %div3A_33, %add3A_37 : vector<1x128xf32>
    %rsqrt3A = math.rsqrt %add3A_38 : vector<1x128xf32>
    %mul3A_39 = vector.broadcast %rsqrt3A : vector<1x128xf32> to vector<10240x128xf32>
    %mul3A_40 = arith.mulf %sub3A_35, %mul3A_39 : vector<10240x128xf32>
    %get3A_41 = arith.constant 0 : index
    %get3A_42 = arith.constant 0 : index
    %get3A_43 = vector.load %arg4[%get3A_41, %get3A_42] : memref<1x128xf32, #tpu.memory_space<vmem>>, vector<1x128xf32>
    %mul3A_44 = vector.broadcast %get3A_43 : vector<1x128xf32> to vector<10240x128xf32>
    %mul3A_45 = arith.mulf %mul3A_40, %mul3A_44 : vector<10240x128xf32>
    %get3A_46 = arith.constant 0 : index
    %get3A_47 = arith.constant 0 : index
    %get3A_48 = vector.load %arg5[%get3A_46, %get3A_47] : memref<1x128xf32, #tpu.memory_space<vmem>>, vector<1x128xf32>
    %add3A_49 = vector.broadcast %get3A_48 : vector<1x128xf32> to vector<10240x128xf32>
    %add3A_50 = arith.addf %mul3A_45, %add3A_49 : vector<10240x128xf32>
    %max3A = arith.constant 0.000000e+00 : f32
    %max3A_51 = vector.broadcast %max3A : f32 to vector<10240x128xf32>
    %max3A_52 = arith.maximumf %add3A_50, %max3A_51 : vector<10240x128xf32>
    %get3A_53 = arith.constant 0 : index
    %get3A_54 = arith.constant 0 : index
    %get3A_55 = vector.load %arg6[%get3A_53, %get3A_54] : memref<128x128xf32, #tpu.memory_space<vmem>>, vector<128x128xf32>
    %dot_general3A = arith.constant dense<0.000000e+00> : vector<10240x128xf32>
    %dot_general3A_56 = tpu.matmul %max3A_52, %get3A_55, %dot_general3A {dimension_numbers = #tpu.dot_dimension_numbers<[1], [0], [0], [1], [0, 0, 1, 1], [], []>, transpose_lhs_hint = false} : vector<10240x128xf32>, vector<128x128xf32>, vector<10240x128xf32> -> vector<10240x128xf32>
    %mul3A_57 = vector.broadcast %get3A_1 : vector<10240x1xf32> to vector<10240x128xf32>
    %mul3A_58 = arith.mulf %dot_general3A_56, %mul3A_57 : vector<10240x128xf32>
    %swap3A_59 = arith.constant 0 : index
    %swap3A_60 = arith.constant 0 : index
    %swap3A_61 = vector.load %arg8[%swap3A_59, %swap3A_60] : memref<10240x128xf32, #tpu.memory_space<vmem>>, vector<10240x128xf32>
    tpu.vector_store %arg8[%swap3A_59, %swap3A_60], %mul3A_58 {strides = array<i32>} : memref<10240x128xf32, #tpu.memory_space<vmem>>, vector<10240x128xf32>,
    return
  }
}

module attributes {stable_mosaic.version = 14 : i64} {
  func.func @body(%arg0: memref<2x10240x128xf32, #tpu.memory_space<vmem>>, %arg1: memref<10240x128xf32, #tpu.memory_space<vmem>>, %arg2: memref<10240x1xf32, #tpu.memory_space<vmem>>, %arg3: memref<1x128xf32, #tpu.memory_space<vmem>>, %arg4: memref<10240x128xf32, #tpu.memory_space<vmem>>) attributes {dimension_semantics = [], scalar_prefetch = 0 : i64, scratch_operands = 0 : i64, tpu.core_type = #tpu.core_type<tc>} {
    %get3A = arith.constant 0 : index
    %get3A_0 = arith.constant 0 : index
    %get3A_1 = arith.constant 0 : index
    %get3A_2 = vector.load %arg0[%get3A, %get3A_0, %get3A_1] : memref<2x10240x128xf32, #tpu.memory_space<vmem>>, vector<1x10240x128xf32>
    %get3A_3 = vector.shape_cast %get3A_2 : vector<1x10240x128xf32> to vector<10240x128xf32>
    %get3A_4 = arith.constant 1 : index
    %get3A_5 = arith.constant 0 : index
    %get3A_6 = arith.constant 0 : index
    %get3A_7 = vector.load %arg0[%get3A_4, %get3A_5, %get3A_6] : memref<2x10240x128xf32, #tpu.memory_space<vmem>>, vector<1x10240x128xf32>
    %get3A_8 = vector.shape_cast %get3A_7 : vector<1x10240x128xf32> to vector<10240x128xf32>
    %add3A = arith.addf %get3A_3, %get3A_8 : vector<10240x128xf32>
    %get3A_9 = arith.constant 0 : index
    %get3A_10 = arith.constant 0 : index
    %get3A_11 = vector.load %arg1[%get3A_9, %get3A_10] : memref<10240x128xf32, #tpu.memory_space<vmem>>, vector<10240x128xf32>
    %add3A_12 = arith.addf %add3A, %get3A_11 : vector<10240x128xf32>
    %get3A_13 = arith.constant 0 : index
    %get3A_14 = arith.constant 0 : index
    %get3A_15 = vector.load %arg2[%get3A_13, %get3A_14] : memref<10240x1xf32, #tpu.memory_space<vmem>>, vector<10240x1xf32>
    %mul3A = vector.broadcast %get3A_15 : vector<10240x1xf32> to vector<10240x128xf32>
    %mul3A_16 = arith.mulf %add3A_12, %mul3A : vector<10240x128xf32>
    %get3A_17 = arith.constant 0 : index
    %get3A_18 = arith.constant 0 : index
    %get3A_19 = vector.load %arg3[%get3A_17, %get3A_18] : memref<1x128xf32, #tpu.memory_space<vmem>>, vector<1x128xf32>
    %add3A_20 = vector.broadcast %get3A_19 : vector<1x128xf32> to vector<10240x128xf32>
    %add3A_21 = arith.addf %mul3A_16, %add3A_20 : vector<10240x128xf32>
    %swap3A = arith.constant 0 : index
    %swap3A_22 = arith.constant 0 : index
    %swap3A_23 = vector.load %arg4[%swap3A, %swap3A_22] : memref<10240x128xf32, #tpu.memory_space<vmem>>, vector<10240x128xf32>
    tpu.vector_store %arg4[%swap3A, %swap3A_22], %add3A_21 {strides = array<i32>} : memref<10240x128xf32, #tpu.memory_space<vmem>>, vector<10240x128xf32>,
    return
  }
}

</mosaic_0001>

<sc_bundles>
// kernel: kernel.11.cloned.1.call-start
scs
__scs_entry_jumppad:
0x0: {  	(pc) =	sbr.rel $0x88, $3  }
0x1: {  	(tag) =	ssettag $0x0;
	lr =	simm.s32 $0x1  }
0x2: {  	[smem:$0x3F99] =	sst lr;
	_ =	strace $0xD0000000  }
0x3: {  	_ = 	snop  }
0x4: {  	_ = 	snop  }
0x5: {  	_ = 	snop  }
0x6: {  	_ = 	snop  }
0x7: {  	_ = 	snop  }
__scs_overlays_trampoline_lowered:
0x8: {  	[smem:$0x3FA8] =	sst s0  }
0x9: {  	[smem:$0x3FA9] =	sst s1  }
0xa: {  	[smem:$0x3FAA] =	sst s2  }
0xb: {  	[smem:$0x3FAB] =	sst s3  }
0xc: {  	[smem:$0x3FAC] =	sst s4  }
0xd: {  	[smem:$0x3FAD] =	sst s5  }
0xe: {  	[smem:$0x3FAE] =	sst s6  }
0xf: {  	[smem:$0x3FAF] =	sst s7  }
0x10: {  	[smem:$0x3FB0] =	sst s8  }
0x11: {  	[smem:$0x3FB1] =	sst s9;
	s0 =	simm.s32 @!p0 $0x0  }
0x12: {  	s1 =	sld [smem:$0x3F97];
	s0 =	simm.s32 @p0 $0x1  }
0x13: {  	[smem:$0x3FB2] =	sst s0;
	s0 =	simm.s32 @!p1 $0x0  }
0x14: {  	s2 =	sld [smem:$0x3F96];
	s0 =	simm.s32 @p1 $0x1  }
0x15: {  	[smem:$0x3FB3] =	sst s0;
	s0 =	simm.s32 @!p2 $0x0  }
0x16: {  	s3 =	sld [smem:$0x3FDB];
	s0 =	simm.s32 @p2 $0x1  }
0x17: {  	s4 =	simm.s32 $0x1BF5;
	[smem:$0x3FB5] =	sst s0  }
0x18: {  	s0 =	sld [smem:$0x3F98];
	_ =	swait.ge [sflag:s4], $0x0  }
0x19: {  	s7 =	sld [smem:$0x3F99]  }
0x1a: {  	s8 =	sadd.s32 $0xFFFFE003, lr  }
0x1b: {  	s9 =	sadd.s32 $0xFFFFFEF7, lr;
	s5 =	simm.s32 $0xFFFFFFFF;
	p2 =	slt.u32 s8, $0xFFFFF086  }
0x1c: {  	p1 =	slt.u32 s9, $0xF7A;
	s5 =	simm.s32 @!p2 $0x0  }
0x1d: {  	s5 =	simm.s32 @p1 $0x1;
	p0 =	seq.s32 s7, s2  }
0x1e: {  	s7 =	smul.u32 @!p0 $0xF7A, s2;
	p2 =	seq.s32 @!p0 s5, $0x0  }
0x1f: {  	s9 =	smul.u32 $0xF7A, s1;
	s8 =	simm.s32 @!p0 $0x1BF5;
	p2 =	por !p2, p0  }
0x20: {  	[sflag:s8] =	ssyncset.s32 @!p0 $0xFFFFF086;
	s6 =	sadd.s32 @!p0 s3, s7;
	s7 =	simm.s32 @!p0 $0x108  }
0x21: {  	s3 =	sadd.s32 s3, s9;
	s6 =	sadd.s32 @!p0 $0x88, s6;
	s7 =	simm.s32 @p2 $0x1082  }
0x22: {  	[simem:s7], [sflag:s8] =	dma.local @!p0 [hbm:s6], $0xF7A  }
0x23: {  	s9 =	sor.u32 $0xD0000000, s2;
	s6 =	simm.s32 $0x108;
	_ =	swait.ge @!p0 [sflag:s8], $0x0  }
0x24: {  	s3 =	sadd.s32 $0x88, s3;
	s6 =	simm.s32 @!p1 $0x1082;
	[sflag:s4] =	ssyncset.s32 $0xFFFFF086  }
0x25: {  	[simem:s6], [sflag:s4] =	dma.local [hbm:s3], $0xF7A  }
0x26: {  	[smem:$0x3F99] =	sst s1;
	(tag) =	ssettag s2;
	_ =	strace s9  }
0x27: {  	s1 =	sld [smem:$0x3FA9]  }
0x28: {  	s2 =	sld [smem:$0x3FAA]  }
0x29: {  	s4 =	sld [smem:$0x3FAC]  }
0x2a: {  	p0 =	seq.s32 s5, $0x0;
	s5 =	sld [smem:$0x3FAD]  }
0x2b: {  	s6 =	sld [smem:$0x3FAE]  }
0x2c: {  	s7 =	sld [smem:$0x3FAF]  }
0x2d: {  	s3 =	simm.s32 $0x108;
	s8 =	sld [smem:$0x3FB0]  }
0x2e: {  	s3 =	simm.s32 @!p0 $0x1082;
	s9 =	sld [smem:$0x3FB1]  }
0x2f: {  	lr =	sadd.s32 s0, s3;
	s0 =	sld [smem:$0x3FA8]  }
0x30: {  	s3 =	sld [smem:$0x3FAB]  }
0x31: {  	[smem:$0x3FB4] =	sst s10  }
0x32: {  	s10 =	sld [smem:$0x3FB2];
	_ =	sdelay $0x3  }
0x33: {  	p0 =	seq.s32 s10, $0x1;
	s10 =	sld [smem:$0x3FB4];
	_ =	sdelay $0x3  }
0x34: {  	[smem:$0x3FB4] =	sst s10  }
0x35: {  	s10 =	sld [smem:$0x3FB3];
	_ =	sdelay $0x3  }
0x36: {  	p1 =	seq.s32 s10, $0x1;
	s10 =	sld [smem:$0x3FB4];
	_ =	sdelay $0x3  }
0x37: {  	[smem:$0x3FB4] =	sst s10  }
0x38: {  	s10 =	sld [smem:$0x3FB5]  }
0x39: {  	_ = 	snop;
	(pc) =	sbr.ind lr, $3  }
0x3a: {  	_ = 	snop  }
0x3b: {  	_ = 	snop  }
0x3c: {  	p2 =	seq.s32 s10, $0x1;
	s10 =	sld [smem:$0x3FB4]  }
0x3d: {  	_ =	shalt  }
0x3e: {  	_ =	shalt  }
0x3f: {  	_ =	shalt  }
0x40: {  	_ =	shalt  }
0x41: {  	_ =	shalt  }
0x42: {  	_ =	shalt  }
0x43: {  	_ =	shalt  }
0x44: {  	_ =	shalt  }
0x45: {  	_ =	shalt  }
0x46: {  	_ =	shalt  }
0x47: {  	_ =	shalt  }
0x48: {  	_ =	shalt  }
0x49: {  	_ =	shalt  }
0x4a: {  	_ =	shalt  }
0x4b: {  	_ =	shalt  }
0x4c: {  	_ =	shalt  }
0x4d: {  	_ =	shalt  }
0x4e: {  	_ =	shalt  }
0x4f: {  	_ =	shalt  }
0x50: {  	_ =	shalt  }
0x51: {  	_ =	shalt  }
0x52: {  	_ =	shalt  }
0x53: {  	_ =	shalt  }
0x54: {  	_ =	shalt  }
0x55: {  	_ =	shalt  }
0x56: {  	_ =	shalt  }
0x57: {  	_ =	shalt  }
0x58: {  	_ =	shalt  }
0x59: {  	_ =	shalt  }
0x5a: {  	_ =	shalt  }
0x5b: {  	_ =	shalt  }
0x5c: {  	_ =	shalt  }
0x5d: {  	_ =	shalt  }
0x5e: {  	_ =	shalt  }
0x5f: {  	_ =	shalt  }
0x60: {  	_ =	shalt  }
0x61: {  	_ =	shalt  }
0x62: {  	_ =	shalt  }
0x63: {  	_ =	shalt  }
0x64: {  	_ =	shalt  }
0x65: {  	_ =	shalt  }
0x66: {  	_ =	shalt  }
0x67: {  	_ =	shalt  }
0x68: {  	_ =	shalt  }
0x69: {  	_ =	shalt  }
0x6a: {  	_ =	shalt  }
0x6b: {  	_ =	shalt  }
0x6c: {  	_ =	shalt  }
0x6d: {  	_ =	shalt  }
0x6e: {  	_ =	shalt  }
0x6f: {  	_ =	shalt  }
0x70: {  	_ =	shalt  }
0x71: {  	_ =	shalt  }
0x72: {  	_ =	shalt  }
0x73: {  	_ =	shalt  }
0x74: {  	_ =	shalt  }
0x75: {  	_ =	shalt  }
0x76: {  	_ =	shalt  }
0x77: {  	_ =	shalt  }
0x78: {  	_ =	shalt  }
0x79: {  	_ =	shalt  }
0x7a: {  	_ =	shalt  }
0x7b: {  	_ =	shalt  }
0x7c: {  	_ =	shalt  }
0x7d: {  	_ =	shalt  }
0x7e: {  	_ =	shalt  }
0x7f: {  	_ =	shalt  }
0x80: {  	_ =	shalt  }
0x81: {  	_ =	shalt  }
0x82: {  	_ =	shalt  }
0x83: {  	_ =	shalt  }
0x84: {  	_ =	shalt  }
0x85: {  	_ =	shalt  }
0x86: {  	_ =	shalt  }
0x87: {  	_ =	shalt  }
.Lfunc_end0:
.L_simem_size_0:
called_computation.1_lowered:
.L_overlay_start_0:
0x88: {  	s2 =	sld [smem:$0x3FD9]  }
0x89: {  	s3 =	sld [smem:$0x3FFE];
	_ =	sdelay $0x1  }
0x8a: {  	s1 =	srdreg.scid  }
0x8b: {  	s0 =	sand.u32 $0x1, s1  }
0x8c: {  	s14 =	sshll.u32 s0, $0xA;
	s2 =	sadd.s32 s3, s2  }
0x8d: {  	s2 =	sadd.s32 s2, s14  }
0x8e: {  	[smem:$0x3FC0] =	sst s2  }
0x8f: {  	_ = 	snop  }
0x90: {  	s2 =	sld [smem:$0x3FD0];
	_ =	sdelay $0x2  }
0x91: {  	s15 =	simm.s32 $0xA;
	s4 =	simm.s32 $0x10  }
0x92: {  	[smem:s4], [sflag:s15] =	dma.local [hbm:s2], $0x1  }
0x93: {  	_ =	swait.eq [sflag:s15], $0x1  }
0x94: {  	[sflag:s15] =	ssyncset.done $0x0  }
0x95: {  	[sflag:s15] =	ssyncadd.s32 $0xFFFFFFFF  }
0x96: {  	s16 =	sld [smem:$0x10];
	(tm) =	ssettm $0x1  }
0x97: {  	s17 =	sld [smem:$0x3FFB];
	_ =	sdelay $0x3  }
0x98: {  	_ =	strace s17  }
0x99: {  	s3 =	sld [smem:$0x3FFC];
	_ =	sdelay $0x3  }
0x9a: {  	_ =	strace s3  }
0x9b: {  	s3 =	sld [smem:$0x3FFD];
	_ =	sdelay $0x3  }
0x9c: {  	_ =	strace s3  }
0x9d: {  	_ =	strace $0x8FFFFFFF  }
0x9e: {  	s18 =	sld [smem:$0x3FDB];
	_ =	sdelay $0x1  }
0x9f: {  	s19 =	simm.s32 $_scs_section_size  }
0xa0: {  	s5 =	simm.s32 $_size__tile_overlayer_lowered;
	s6 =	simm.s32 $_tile_overlayer_lowered  }
0xa1: {  	s22 =	simm.s32 $0x1BFF;
	s21 =	sshll.u32 s6, $0x1;
	s3 =	sadd.s32 s19, s18  }
0xa2: {  	s7 =	simm.s32 $0x0;
	s20 =	sshll.u32 s5, $0x1;
	s5 =	sadd.s32 s21, s3  }
0xa3: {  	[timem:s7], [sflag:s22] =	dma.local [hbm:s5], s20  }
0xa4: {  	_ =	swait.ge [sflag:s22], s20  }
0xa5: {  	s4 =	ssub.s32 $0x0, s20;
	[sflag:s22] =	ssyncset.done $0x0  }
0xa6: {  	[sflag:s22] =	ssyncadd.s32 s4;
	_ =	sdelay $0x1  }
0xa7: {  	s23 =	simm.s32 $0x1B8B  }
0xa8: {  	_ =	swait.ge [sflag:s23], $0x1  }
0xa9: {  	[sflag:s23] =	ssyncset.done $0x0  }
0xaa: {  	s25 =	simm.s32 $0x1B8E;
	s24 =	sld [smem:$0x3FFE];
	[sflag:s23] =	ssyncadd.s32 $0xFFFFFFFF  }
0xab: {  	s26 =	simm.s32 $execute0_lowered;
	[smem:$0x3FD2] =	sst s25  }
0xac: {  	s5 =	sshll.u32 s26, $0x1;
	_ =	strace $0x80000049;
	[dreg:$0x1] =	wrdreg $0xFFFFFFFF  }
0xad: {  	s28 =	simm.s32 $_size_execute0_lowered;
	s3 =	sadd.s32 s3, s5;
	[dreg:$0x0] =	wrdreg $0x0  }
0xae: {  	s5 =	sshll.u32 s28, $0x1;
	[dreg:$0x2] =	wrdreg s3  }
0xaf: {  	[dreg:$0x3] =	wrdreg s5  }
0xb0: {  	[dreg:$0x4] =	wrdreg $0xC0  }
0xb1: {  	_ =	task [dreg:s7], $0x5FFFF  }
0xb2: {  	[dreg:$0x1] =	wrdreg $0xFFFFFFFF  }
0xb3: {  	[dreg:$0x0] =	wrdreg $0x60  }
0xb4: {  	[dreg:$0x2] =	wrdreg s24  }
0xb5: {  	[dreg:$0x3] =	wrdreg s16  }
0xb6: {  	[dreg:$0x4] =	wrdreg $0xB0000  }
0xb7: {  	[dreg:$0x5] =	wrdreg $0x9  }
0xb8: {  	_ =	task.clear_ibuf [dreg:s7], $0x6FFFF;
	_ =	strace $0x90000049  }
0xb9: {  	s29 =	simm.s32 $0x9;
	_ =	strace $0x8000004B  }
0xba: {  	_ =	swait.ge [sflag:s29], $0x1  }
0xbb: {  	[sflag:s29] =	ssyncadd.s32 $0xFFFFFFFF  }
0xbc: {  	_ =	strace $0x9000004B  }
0xbd: {  	_ =	sfence  }
0xbe: {  	s30 =	sld [smem:$0x0];
	_ =	sdelay $0x2  }
0xbf: {  	s31 =	sshll.u32 s1, $0xD;
	s1 =	sshrl.u32 s1, $0x2  }
0xc0: {  	s3 =	sand.u32 $0x4000, s31;
	s1 =	sadd.s32 s1, s30  }
0xc1: {  	s0 =	sor.u32 s3, s0;
	s1 =	sshll.u32 s1, $0x11  }
0xc2: {  	s0 =	sor.u32 s1, s0  }
0xc3: {  	s0 =	sadd.s32 $0x8F2B, s0  }
0xc4: {  	[sflag:s0] =	ssyncadd.remote.s32 $0x1  }
0xc5: {  	_ =	sfence.sel $0xFFFF  }
0xc6: {  	[dreg:$0x0] =	wrdreg $0xFFFFFFFF;
	(pc) =	sbr.abs _section_cstart, $3  }
0xc7: {  	[dreg:$0x1] =	wrdreg $0xFFFFFFFF  }
0xc8: {  	_ =	task.clear_ibuf [dreg:s7], $0x2FFFF;
	_ =	strace $0x9FFFFFFF  }
0xc9: {  	(tm) =	ssettm $0x7FFFFFFF  }
tec
execute0_lowered:
.L_overlay_start_1:
0x0: {  	(tag) =	ssettag $0x1  }
0x1: {  	s5 =	rddreg [dreg:$0x0]  }
0x2: {  	s7 =	rddreg [dreg:$0x1]  }
0x3: {  	s1 =	rddreg [dreg:$0x2];
	s2 =	srdreg.scid  }
0x4: {  	s0 =	rddreg [dreg:$0x3];
	s3 =	simm.s32 $0x0;
	s19 =	simm.s32 $0x9000  }
0x5: {  	s20 =	simm.s32 $0x2;
	s21 =	simm.s32 $0x2800;
	s22 =	simm.s32 $0x80  }
0x6: {  	s23 =	simm.s32 $0x5000;
	s24 =	simm.s32 $0x1;
	s6 =	sand.u32 $0x1, s2  }
0x7: {  	s25 =	simm.s32 $0x0;
	s2 =	stileid.u32;
	s8 =	smul.u32 $0x140000, s6  }
0x8: {  	[smem:$0x7FF] =	sst s3;
	s4 =	sshll.u32 s6, $0x4;
	s10 =	smul.u32 $0x14000, s2  }
0x9: {  	s6 =	ssub.s32 $0x2, s6;
	s30 =	smul.u32 $0x50000, s2;
	s9 =	sor.u32 s2, s4  }
0xa: {  	_ =	strace $0x8000004A;
	s12 =	sshrl.u32 s6, $0x1;
	s9 =	smul.u32 $0x500, s9  }
0xb: {  	s4 =	sadd.s32 $0x2400, s5;
	s8 =	sadd.s32 s10, s8;
	s12 =	ssub.s32 s6, s12  }
0xc: {  	s31 =	sshrl.u32 s30, $0x2;
	s8 =	sshrl.u32 s8, $0x3;
	s11 =	sadd.s32 s9, s5  }
0xd: {  	s8 =	sadd.s32 s8, s5;
	s5 =	sadd.s32 s31, s1;
	s7 =	sadd.s32 s7, s9  }
0xe: {  	s9 =	smax.u32 s12, $0x1;
	s6 =	sadd.s32 $0x52400, s11;
	s8 =	sadd.s32 $0x5C400, s8  }
0xf: {  	s10 =	sadd.s32 $0x2000, s5;
	s11 =	sadd.s32 $0x4000, s5;
	s12 =	sadd.s32 $0x6000, s5  }
0x10: {  	s13 =	sadd.s32 $0x8000, s5;
	s14 =	sadd.s32 $0xA000, s5;
	s15 =	sadd.s32 $0xC000, s5  }
0x11: {  	v0 =	vimm.f32 $0.0e+00;
	s16 =	sadd.s32 $0xE000, s5;
	s17 =	sadd.s32 $0x10000, s5;
	s18 =	sadd.s32 $0x12000, s5  }
.LBB2_1:
0x12: {  	s26 =	sand.u32 $0x7E00, s3  }
0x13: {  	s28 =	sand.u32 $0x70, s3;
	s29 =	sshrl.u32 s26, $0x2  }
0x14: {  	s26 =	simm.s32 $0x40;
	s29 =	sor.u32 s28, s29;
	s28 =	simm.s32 $0x0  }
.LBB2_2:
0x15: {  	p0 =	sne.s32 s26, $0x7FC0  }
0x16: {  	[tilespmem:s29+$0x9000] =	vst v0;
	s28 =	sadd.s32 $0x10, s28;
	s29 =	smov.u32 s26;
	s26 =	sadd.s32 $0x40, s26  }
.Ltmp0:
0x17: {  	(pc) =	sbr.rel @p0 .LBB2_2-.Ltmp0, $4  }
0x18: {  	_ = 	snop  }
0x19: {  	s29 =	sand.u32 $0x7E00, s29  }
0x1a: {  	s30 =	sand.u32 $0x70, s28;
	s29 =	sshrl.u32 s29, $0x2  }
0x1b: {  	s29 =	sor.u32 s30, s29  }
0x1c: {  	[tilespmem:s29+$0x9000] =	vst v0  }
0x1d: {  	[spmem:s5] =	stream.linear.scatter [tilespmem:s19], [sflag:$0x2], $0x2000, $0x38;
	[tilespmem:$0x1F000] =	vst v63  }
0x1e: {  	_ =	swait.ge [sflag:s20], $0x2000  }
0x1f: {  	[sflag:s20] =	ssyncset.done $0x0  }
0x20: {  	[sflag:s20] =	ssyncadd.s32 $0xFFFFE000  }
0x21: {  	[spmem:s10] =	stream.linear.scatter [tilespmem:s19], [sflag:$0x2], $0x2000, $0x38;
	[tilespmem:$0x1F000] =	vst v63  }
0x22: {  	_ =	swait.ge [sflag:s20], $0x2000  }
0x23: {  	[sflag:s20] =	ssyncset.done $0x0  }
0x24: {  	[sflag:s20] =	ssyncadd.s32 $0xFFFFE000  }
0x25: {  	[spmem:s11] =	stream.linear.scatter [tilespmem:s19], [sflag:$0x2], $0x2000, $0x38;
	[tilespmem:$0x1F000] =	vst v63  }
0x26: {  	_ =	swait.ge [sflag:s20], $0x2000  }
0x27: {  	[sflag:s20] =	ssyncset.done $0x0  }
0x28: {  	[sflag:s20] =	ssyncadd.s32 $0xFFFFE000  }
0x29: {  	[spmem:s12] =	stream.linear.scatter [tilespmem:s19], [sflag:$0x2], $0x2000, $0x38;
	[tilespmem:$0x1F000] =	vst v63  }
0x2a: {  	_ =	swait.ge [sflag:s20], $0x2000  }
0x2b: {  	[sflag:s20] =	ssyncset.done $0x0  }
0x2c: {  	[sflag:s20] =	ssyncadd.s32 $0xFFFFE000  }
0x2d: {  	[spmem:s13] =	stream.linear.scatter [tilespmem:s19], [sflag:$0x2], $0x2000, $0x38;
	[tilespmem:$0x1F000] =	vst v63  }
0x2e: {  	_ =	swait.ge [sflag:s20], $0x2000  }
0x2f: {  	[sflag:s20] =	ssyncset.done $0x0  }
0x30: {  	[sflag:s20] =	ssyncadd.s32 $0xFFFFE000  }
0x31: {  	[spmem:s14] =	stream.linear.scatter [tilespmem:s19], [sflag:$0x2], $0x2000, $0x38;
	[tilespmem:$0x1F000] =	vst v63  }
0x32: {  	_ =	swait.ge [sflag:s20], $0x2000  }
0x33: {  	[sflag:s20] =	ssyncset.done $0x0  }
0x34: {  	[sflag:s20] =	ssyncadd.s32 $0xFFFFE000  }
0x35: {  	[spmem:s15] =	stream.linear.scatter [tilespmem:s19], [sflag:$0x2], $0x2000, $0x38;
	[tilespmem:$0x1F000] =	vst v63  }
0x36: {  	_ =	swait.ge [sflag:s20], $0x2000  }
0x37: {  	[sflag:s20] =	ssyncset.done $0x0  }
0x38: {  	[sflag:s20] =	ssyncadd.s32 $0xFFFFE000  }
0x39: {  	[spmem:s16] =	stream.linear.scatter [tilespmem:s19], [sflag:$0x2], $0x2000, $0x38;
	[tilespmem:$0x1F000] =	vst v63  }
0x3a: {  	_ =	swait.ge [sflag:s20], $0x2000  }
0x3b: {  	[sflag:s20] =	ssyncset.done $0x0  }
0x3c: {  	[sflag:s20] =	ssyncadd.s32 $0xFFFFE000  }
0x3d: {  	[spmem:s17] =	stream.linear.scatter [tilespmem:s19], [sflag:$0x2], $0x2000, $0x38;
	[tilespmem:$0x1F000] =	vst v63  }
0x3e: {  	_ =	swait.ge [sflag:s20], $0x2000  }
0x3f: {  	[sflag:s20] =	ssyncset.done $0x0  }
0x40: {  	[sflag:s20] =	ssyncadd.s32 $0xFFFFE000  }
0x41: {  	[spmem:s18] =	stream.linear.scatter [tilespmem:s19], [sflag:$0x2], $0x2000, $0x38;
	[tilespmem:$0x1F000] =	vst v63  }
0x42: {  	_ =	swait.ge [sflag:s20], $0x2000  }
0x43: {  	[sflag:s20] =	ssyncset.done $0x0  }
0x44: {  	[sflag:s20] =	ssyncadd.s32 $0xFFFFE000  }
0x45: {  	s26 =	simm.s32 $0x0;
	[bflag:$0x0] =	sbarrier.arrive $0xFFFF  }
0x46: {  	[tilespmem:s26], [sflag:$0x2] =	stream.linear.gather [hbm4b:s6+s26], $0x2780, $0x38;
	[tilespmem:$0x1F000] =	vst v63  }
0x47: {  	_ =	swait.ge [sflag:s20], $0x2780  }
0x48: {  	[sflag:s20] =	ssyncset.done $0x0  }
0x49: {  	[sflag:s20] =	ssyncadd.s32 $0xFFFFD880  }
0x4a: {  	[tilespmem:s21], [sflag:$0x2] =	stream.linear.gather [hbm4b:s7+s26], $0x2780, $0x38;
	[tilespmem:$0x1F000] =	vst v63  }
0x4b: {  	_ =	swait.ge [sflag:s20], $0x2780  }
0x4c: {  	[sflag:s20] =	ssyncset.done $0x0  }
0x4d: {  	s30 =	simm.s32 $0x0;
	[sflag:s20] =	ssyncadd.s32 $0xFFFFD880  }
0x4e: {  	[tilespmem:s23], [sflag:$0x1] =	stream.indirect.gather [hbm4b:s4+s22], $0x80, s30, s22, $0xb8;
	[tilespmem:$0x1F000] =	vst v63  }
0x4f: {  	_ =	swait.ge [sflag:s24], $0x4000  }
0x50: {  	[sflag:s24] =	ssyncset.done $0x0  }
0x51: {  	s31 =	simm.s32 $0x2800;
	[sflag:s24] =	ssyncadd.s32 $0xFFFFC000  }
0x52: {  	[spmem:s1] =	stream.indirect.scatter.add.f32 [tilespmem:s23], [sflag:$0x2], $0x80, s31, s22, $0xb8;
	[tilespmem:$0x1F000] =	vst v63  }
0x53: {  	_ =	swait.ge [sflag:s20], $0x4000  }
0x54: {  	s28 =	simm.s32 $0x400;
	s26 =	simm.s32 $0x200;
	[sflag:s20] =	ssyncset.done $0x0  }
.LBB2_4:
0x55: {  	s29 =	sshra.s32 s26, $0x2  }
0x56: {  	[sflag:s20] =	ssyncadd.s32 $0xFFFFC000;
	s26 =	smov.u32 s28;
	s30 =	sadd.s32 $0x200, s28  }
0x57: {  	[tilespmem:s23], [sflag:$0x1] =	stream.indirect.gather [hbm4b:s4+s22], $0x80, s29, s22, $0xb8;
	[tilespmem:$0x1F000] =	vst v63  }
0x58: {  	p0 =	sne.s32 s28, $0x9C00;
	_ =	swait.ge [sflag:s24], $0x4000  }
.Ltmp1:
0x59: {  	[sflag:s24] =	ssyncset.done $0x0;
	(pc) =	sbr.rel @p0 .LBB2_4-.Ltmp1, $4  }
0x5a: {  	s28 =	sadd.s32 $0x2800, s29;
	[sflag:s24] =	ssyncadd.s32 $0xFFFFC000  }
0x5b: {  	[spmem:s1] =	stream.indirect.scatter.add.f32 [tilespmem:s23], [sflag:$0x2], $0x80, s28, s22, $0xb8;
	[tilespmem:$0x1F000] =	vst v63  }
0x5c: {  	_ =	swait.ge [sflag:s20], $0x4000  }
0x5d: {  	s28 =	smov.u32 s30;
	[sflag:s20] =	ssyncset.done $0x0  }
0x5e: {  	s26 =	sshra.s32 s26, $0x2;
	[sflag:s20] =	ssyncadd.s32 $0xFFFFC000  }
0x5f: {  	[tilespmem:s23], [sflag:$0x1] =	stream.indirect.gather [hbm4b:s4+s22], $0x80, s26, s22, $0xb8;
	[tilespmem:$0x1F000] =	vst v63  }
0x60: {  	_ =	swait.ge [sflag:s24], $0x4000  }
0x61: {  	[sflag:s24] =	ssyncset.done $0x0  }
0x62: {  	s26 =	sadd.s32 $0x2800, s26;
	[sflag:s24] =	ssyncadd.s32 $0xFFFFC000  }
0x63: {  	[spmem:s1] =	stream.indirect.scatter.add.f32 [tilespmem:s23], [sflag:$0x2], $0x80, s26, s22, $0xb8;
	[tilespmem:$0x1F000] =	vst v63  }
0x64: {  	_ =	swait.ge [sflag:s20], $0x4000  }
0x65: {  	s31 =	sshll.u32 s2, $0x6;
	s25 =	sadd.s32 $0x1, s25;
	[sflag:s20] =	ssyncset.done $0x0  }
0x66: {  	s28 =	sshrl.u32 s5, $0x3;
	p0 =	sne.s32 s25, s9;
	[sflag:s20] =	ssyncadd.s32 $0xFFFFC000  }
.Ltmp2:
0x67: {  	s26 =	sor.u32 $0x1C02, s31;
	[bflag:$0x0] =	sbarrier.arrive $0xFFFF;
	(pc) =	sbr.rel @p0 .LBB2_1-.Ltmp2, $4  }
0x68: {  	[hbm:s8], [sflag:s26] =	dma.local [spmem:s28], $0x2800  }
0x69: {  	_ =	swait.ge [sflag:s20], $0x2800  }
0x6a: {  	[sflag:s20] =	ssyncset.done $0x0  }
0x6b: {  	[sflag:s20] =	ssyncadd.s32 $0xFFFFD800  }
0x6c: {  	_ =	sfence.sel $0x180000  }
0x6d: {  	[bflag:$0x0] =	sbarrier.arrive $0xFFFF  }
0x6e: {  	p0 =	sne.s32 s2, $0x0;
	_ =	strace $0x9000004A  }
0x6f: {  	s0 =	sadd.s32 @!p0 $0x100000, s0;
	[bflag:$0x2] =	sbarrier.arrive $0xFFFF  }
0x70: {  	[sflag:s0] =	ssyncadd.tile.s32 @!p0 $0x1;
	_ =	shalt  }
.Lfunc_end2:
_tile_overlayer_lowered:
.L_overlay_start_2:
0x71: {  	(tag) =	ssettag $0x2  }
0x72: {  	s0 =	rddreg [dreg:$0x0];
	s2 =	stileid.u32  }
0x73: {  	s1 =	rddreg [dreg:$0x1];
	p0 =	sne.s32 s2, $0x0  }
0x74: {  	s3 =	rddreg [dreg:$0x2];
	[bflag:$0x3] =	sbarrier.arrive $0xFFFF;
	s2 =	simm.s32 @!p0 $0x1C02  }
0x75: {  	[timem:s3], [sflag:s2] =	dma.local @!p0 [hbm:s0], s1  }
0x76: {  	s0 =	simm.s32 @!p0 $0x2  }
0x77: {  	_ =	swait.ge @!p0 [sflag:s0], s1  }
0x78: {  	s1 =	ssub.s32 @!p0 $0x0, s1;
	[sflag:s0] =	ssyncset.done @!p0 $0x0  }
0x79: {  	[sflag:s0] =	ssyncadd.s32 @!p0 s1  }
0x7a: {  	[bflag:$0x3] =	sbarrier.arrive $0xFFFF  }
0x7b: {  	_ =	shalt  }

// kernel: kernel.14.cloned.1.call-start
scs
__scs_entry_jumppad:
0x0: {  	(pc) =	sbr.rel $0x88, $3  }
0x1: {  	(tag) =	ssettag $0x0;
	lr =	simm.s32 $0x1  }
0x2: {  	[smem:$0x3F99] =	sst lr;
	_ =	strace $0xD0000000  }
0x3: {  	_ = 	snop  }
0x4: {  	_ = 	snop  }
0x5: {  	_ = 	snop  }
0x6: {  	_ = 	snop  }
0x7: {  	_ = 	snop  }
__scs_overlays_trampoline_lowered:
0x8: {  	[smem:$0x3FA8] =	sst s0  }
0x9: {  	[smem:$0x3FA9] =	sst s1  }
0xa: {  	[smem:$0x3FAA] =	sst s2  }
0xb: {  	[smem:$0x3FAB] =	sst s3  }
0xc: {  	[smem:$0x3FAC] =	sst s4  }
0xd: {  	[smem:$0x3FAD] =	sst s5  }
0xe: {  	[smem:$0x3FAE] =	sst s6  }
0xf: {  	[smem:$0x3FAF] =	sst s7  }
0x10: {  	[smem:$0x3FB0] =	sst s8  }
0x11: {  	[smem:$0x3FB1] =	sst s9;
	s0 =	simm.s32 @!p0 $0x0  }
0x12: {  	s1 =	sld [smem:$0x3F97];
	s0 =	simm.s32 @p0 $0x1  }
0x13: {  	[smem:$0x3FB2] =	sst s0;
	s0 =	simm.s32 @!p1 $0x0  }
0x14: {  	s2 =	sld [smem:$0x3F96];
	s0 =	simm.s32 @p1 $0x1  }
0x15: {  	[smem:$0x3FB3] =	sst s0;
	s0 =	simm.s32 @!p2 $0x0  }
0x16: {  	s3 =	sld [smem:$0x3FDB];
	s0 =	simm.s32 @p2 $0x1  }
0x17: {  	s4 =	simm.s32 $0x1BF5;
	[smem:$0x3FB5] =	sst s0  }
0x18: {  	s0 =	sld [smem:$0x3F98];
	_ =	swait.ge [sflag:s4], $0x0  }
0x19: {  	s7 =	sld [smem:$0x3F99]  }
0x1a: {  	s8 =	sadd.s32 $0xFFFFE003, lr  }
0x1b: {  	s9 =	sadd.s32 $0xFFFFFEF7, lr;
	s5 =	simm.s32 $0xFFFFFFFF;
	p2 =	slt.u32 s8, $0xFFFFF086  }
0x1c: {  	p1 =	slt.u32 s9, $0xF7A;
	s5 =	simm.s32 @!p2 $0x0  }
0x1d: {  	s5 =	simm.s32 @p1 $0x1;
	p0 =	seq.s32 s7, s2  }
0x1e: {  	s7 =	smul.u32 @!p0 $0xF7A, s2;
	p2 =	seq.s32 @!p0 s5, $0x0  }
0x1f: {  	s9 =	smul.u32 $0xF7A, s1;
	s8 =	simm.s32 @!p0 $0x1BF5;
	p2 =	por !p2, p0  }
0x20: {  	[sflag:s8] =	ssyncset.s32 @!p0 $0xFFFFF086;
	s6 =	sadd.s32 @!p0 s3, s7;
	s7 =	simm.s32 @!p0 $0x108  }
0x21: {  	s3 =	sadd.s32 s3, s9;
	s6 =	sadd.s32 @!p0 $0x88, s6;
	s7 =	simm.s32 @p2 $0x1082  }
0x22: {  	[simem:s7], [sflag:s8] =	dma.local @!p0 [hbm:s6], $0xF7A  }
0x23: {  	s9 =	sor.u32 $0xD0000000, s2;
	s6 =	simm.s32 $0x108;
	_ =	swait.ge @!p0 [sflag:s8], $0x0  }
0x24: {  	s3 =	sadd.s32 $0x88, s3;
	s6 =	simm.s32 @!p1 $0x1082;
	[sflag:s4] =	ssyncset.s32 $0xFFFFF086  }
0x25: {  	[simem:s6], [sflag:s4] =	dma.local [hbm:s3], $0xF7A  }
0x26: {  	[smem:$0x3F99] =	sst s1;
	(tag) =	ssettag s2;
	_ =	strace s9  }
0x27: {  	s1 =	sld [smem:$0x3FA9]  }
0x28: {  	s2 =	sld [smem:$0x3FAA]  }
0x29: {  	s4 =	sld [smem:$0x3FAC]  }
0x2a: {  	p0 =	seq.s32 s5, $0x0;
	s5 =	sld [smem:$0x3FAD]  }
0x2b: {  	s6 =	sld [smem:$0x3FAE]  }
0x2c: {  	s7 =	sld [smem:$0x3FAF]  }
0x2d: {  	s3 =	simm.s32 $0x108;
	s8 =	sld [smem:$0x3FB0]  }
0x2e: {  	s3 =	simm.s32 @!p0 $0x1082;
	s9 =	sld [smem:$0x3FB1]  }
0x2f: {  	lr =	sadd.s32 s0, s3;
	s0 =	sld [smem:$0x3FA8]  }
0x30: {  	s3 =	sld [smem:$0x3FAB]  }
0x31: {  	[smem:$0x3FB4] =	sst s10  }
0x32: {  	s10 =	sld [smem:$0x3FB2];
	_ =	sdelay $0x3  }
0x33: {  	p0 =	seq.s32 s10, $0x1;
	s10 =	sld [smem:$0x3FB4];
	_ =	sdelay $0x3  }
0x34: {  	[smem:$0x3FB4] =	sst s10  }
0x35: {  	s10 =	sld [smem:$0x3FB3];
	_ =	sdelay $0x3  }
0x36: {  	p1 =	seq.s32 s10, $0x1;
	s10 =	sld [smem:$0x3FB4];
	_ =	sdelay $0x3  }
0x37: {  	[smem:$0x3FB4] =	sst s10  }
0x38: {  	s10 =	sld [smem:$0x3FB5]  }
0x39: {  	_ = 	snop;
	(pc) =	sbr.ind lr, $3  }
0x3a: {  	_ = 	snop  }
0x3b: {  	_ = 	snop  }
0x3c: {  	p2 =	seq.s32 s10, $0x1;
	s10 =	sld [smem:$0x3FB4]  }
0x3d: {  	_ =	shalt  }
0x3e: {  	_ =	shalt  }
0x3f: {  	_ =	shalt  }
0x40: {  	_ =	shalt  }
0x41: {  	_ =	shalt  }
0x42: {  	_ =	shalt  }
0x43: {  	_ =	shalt  }
0x44: {  	_ =	shalt  }
0x45: {  	_ =	shalt  }
0x46: {  	_ =	shalt  }
0x47: {  	_ =	shalt  }
0x48: {  	_ =	shalt  }
0x49: {  	_ =	shalt  }
0x4a: {  	_ =	shalt  }
0x4b: {  	_ =	shalt  }
0x4c: {  	_ =	shalt  }
0x4d: {  	_ =	shalt  }
0x4e: {  	_ =	shalt  }
0x4f: {  	_ =	shalt  }
0x50: {  	_ =	shalt  }
0x51: {  	_ =	shalt  }
0x52: {  	_ =	shalt  }
0x53: {  	_ =	shalt  }
0x54: {  	_ =	shalt  }
0x55: {  	_ =	shalt  }
0x56: {  	_ =	shalt  }
0x57: {  	_ =	shalt  }
0x58: {  	_ =	shalt  }
0x59: {  	_ =	shalt  }
0x5a: {  	_ =	shalt  }
0x5b: {  	_ =	shalt  }
0x5c: {  	_ =	shalt  }
0x5d: {  	_ =	shalt  }
0x5e: {  	_ =	shalt  }
0x5f: {  	_ =	shalt  }
0x60: {  	_ =	shalt  }
0x61: {  	_ =	shalt  }
0x62: {  	_ =	shalt  }
0x63: {  	_ =	shalt  }
0x64: {  	_ =	shalt  }
0x65: {  	_ =	shalt  }
0x66: {  	_ =	shalt  }
0x67: {  	_ =	shalt  }
0x68: {  	_ =	shalt  }
0x69: {  	_ =	shalt  }
0x6a: {  	_ =	shalt  }
0x6b: {  	_ =	shalt  }
0x6c: {  	_ =	shalt  }
0x6d: {  	_ =	shalt  }
0x6e: {  	_ =	shalt  }
0x6f: {  	_ =	shalt  }
0x70: {  	_ =	shalt  }
0x71: {  	_ =	shalt  }
0x72: {  	_ =	shalt  }
0x73: {  	_ =	shalt  }
0x74: {  	_ =	shalt  }
0x75: {  	_ =	shalt  }
0x76: {  	_ =	shalt  }
0x77: {  	_ =	shalt  }
0x78: {  	_ =	shalt  }
0x79: {  	_ =	shalt  }
0x7a: {  	_ =	shalt  }
0x7b: {  	_ =	shalt  }
0x7c: {  	_ =	shalt  }
0x7d: {  	_ =	shalt  }
0x7e: {  	_ =	shalt  }
0x7f: {  	_ =	shalt  }
0x80: {  	_ =	shalt  }
0x81: {  	_ =	shalt  }
0x82: {  	_ =	shalt  }
0x83: {  	_ =	shalt  }
0x84: {  	_ =	shalt  }
0x85: {  	_ =	shalt  }
0x86: {  	_ =	shalt  }
0x87: {  	_ =	shalt  }
.Lfunc_end0:
.L_simem_size_0:
called_computation.2_lowered:
.L_overlay_start_0:
0x88: {  	s2 =	sld [smem:$0x3FD9]  }
0x89: {  	s3 =	sld [smem:$0x3FFE];
	_ =	sdelay $0x1  }
0x8a: {  	s1 =	srdreg.scid  }
0x8b: {  	s0 =	sand.u32 $0x1, s1  }
0x8c: {  	s14 =	sshll.u32 s0, $0xA;
	s2 =	sadd.s32 s3, s2  }
0x8d: {  	s2 =	sadd.s32 s2, s14  }
0x8e: {  	[smem:$0x3FC0] =	sst s2  }
0x8f: {  	_ = 	snop  }
0x90: {  	s2 =	sld [smem:$0x3FD0];
	_ =	sdelay $0x2  }
0x91: {  	s15 =	simm.s32 $0xA;
	s4 =	simm.s32 $0x10  }
0x92: {  	[smem:s4], [sflag:s15] =	dma.local [hbm:s2], $0x1  }
0x93: {  	_ =	swait.eq [sflag:s15], $0x1  }
0x94: {  	[sflag:s15] =	ssyncset.done $0x0  }
0x95: {  	[sflag:s15] =	ssyncadd.s32 $0xFFFFFFFF  }
0x96: {  	s16 =	sld [smem:$0x10];
	(tm) =	ssettm $0x1  }
0x97: {  	s17 =	sld [smem:$0x3FFB];
	_ =	sdelay $0x3  }
0x98: {  	_ =	strace s17  }
0x99: {  	s3 =	sld [smem:$0x3FFC];
	_ =	sdelay $0x3  }
0x9a: {  	_ =	strace s3  }
0x9b: {  	s3 =	sld [smem:$0x3FFD];
	_ =	sdelay $0x3  }
0x9c: {  	_ =	strace s3  }
0x9d: {  	_ =	strace $0x8FFFFFFF  }
0x9e: {  	s18 =	sld [smem:$0x3FDB];
	_ =	sdelay $0x1  }
0x9f: {  	s19 =	simm.s32 $_scs_section_size  }
0xa0: {  	s5 =	simm.s32 $_size__tile_overlayer_lowered;
	s6 =	simm.s32 $_tile_overlayer_lowered  }
0xa1: {  	s22 =	simm.s32 $0x1BFF;
	s21 =	sshll.u32 s6, $0x1;
	s3 =	sadd.s32 s19, s18  }
0xa2: {  	s7 =	simm.s32 $0x0;
	s20 =	sshll.u32 s5, $0x1;
	s5 =	sadd.s32 s21, s3  }
0xa3: {  	[timem:s7], [sflag:s22] =	dma.local [hbm:s5], s20  }
0xa4: {  	_ =	swait.ge [sflag:s22], s20  }
0xa5: {  	s4 =	ssub.s32 $0x0, s20;
	[sflag:s22] =	ssyncset.done $0x0  }
0xa6: {  	[sflag:s22] =	ssyncadd.s32 s4;
	_ =	sdelay $0x1  }
0xa7: {  	s23 =	simm.s32 $0x1B8B  }
0xa8: {  	_ =	swait.ge [sflag:s23], $0x1  }
0xa9: {  	[sflag:s23] =	ssyncset.done $0x0  }
0xaa: {  	s25 =	simm.s32 $0x1B8E;
	s24 =	sld [smem:$0x3FFE];
	[sflag:s23] =	ssyncadd.s32 $0xFFFFFFFF  }
0xab: {  	s26 =	simm.s32 $execute0_lowered;
	[smem:$0x3FD2] =	sst s25  }
0xac: {  	s5 =	sshll.u32 s26, $0x1;
	_ =	strace $0x8000004C;
	[dreg:$0x1] =	wrdreg $0xFFFFFFFF  }
0xad: {  	s28 =	simm.s32 $_size_execute0_lowered;
	s3 =	sadd.s32 s3, s5;
	[dreg:$0x0] =	wrdreg $0x0  }
0xae: {  	s5 =	sshll.u32 s28, $0x1;
	[dreg:$0x2] =	wrdreg s3  }
0xaf: {  	[dreg:$0x3] =	wrdreg s5  }
0xb0: {  	[dreg:$0x4] =	wrdreg $0xC0  }
0xb1: {  	_ =	task [dreg:s7], $0x5FFFF  }
0xb2: {  	[dreg:$0x1] =	wrdreg $0xFFFFFFFF  }
0xb3: {  	[dreg:$0x0] =	wrdreg $0x60  }
0xb4: {  	[dreg:$0x2] =	wrdreg s24  }
0xb5: {  	[dreg:$0x3] =	wrdreg s16  }
0xb6: {  	[dreg:$0x4] =	wrdreg $0xB0000  }
0xb7: {  	[dreg:$0x5] =	wrdreg $0x9  }
0xb8: {  	_ =	task.clear_ibuf [dreg:s7], $0x6FFFF;
	_ =	strace $0x9000004C  }
0xb9: {  	s29 =	simm.s32 $0x9;
	_ =	strace $0x8000004E  }
0xba: {  	_ =	swait.ge [sflag:s29], $0x1  }
0xbb: {  	[sflag:s29] =	ssyncadd.s32 $0xFFFFFFFF  }
0xbc: {  	_ =	strace $0x9000004E  }
0xbd: {  	_ =	sfence  }
0xbe: {  	s30 =	sld [smem:$0x0];
	_ =	sdelay $0x2  }
0xbf: {  	s31 =	sshll.u32 s1, $0xD;
	s1 =	sshrl.u32 s1, $0x2  }
0xc0: {  	s3 =	sand.u32 $0x4000, s31;
	s1 =	sadd.s32 s1, s30  }
0xc1: {  	s0 =	sor.u32 s3, s0;
	s1 =	sshll.u32 s1, $0x11  }
0xc2: {  	s0 =	sor.u32 s1, s0  }
0xc3: {  	s0 =	sadd.s32 $0x8F2B, s0  }
0xc4: {  	[sflag:s0] =	ssyncadd.remote.s32 $0x1  }
0xc5: {  	_ =	sfence.sel $0xFFFF  }
0xc6: {  	[dreg:$0x0] =	wrdreg $0xFFFFFFFF;
	(pc) =	sbr.abs _section_cstart, $3  }
0xc7: {  	[dreg:$0x1] =	wrdreg $0xFFFFFFFF  }
0xc8: {  	_ =	task.clear_ibuf [dreg:s7], $0x2FFFF;
	_ =	strace $0x9FFFFFFF  }
0xc9: {  	(tm) =	ssettm $0x7FFFFFFF  }
tec
execute0_lowered:
.L_overlay_start_1:
0x0: {  	(tag) =	ssettag $0x1  }
0x1: {  	s5 =	rddreg [dreg:$0x0]  }
0x2: {  	s7 =	rddreg [dreg:$0x1]  }
0x3: {  	s1 =	rddreg [dreg:$0x2];
	s2 =	srdreg.scid  }
0x4: {  	s0 =	rddreg [dreg:$0x3];
	s3 =	simm.s32 $0x0;
	s19 =	simm.s32 $0x9000  }
0x5: {  	s20 =	simm.s32 $0x2;
	s21 =	simm.s32 $0x2800;
	s22 =	simm.s32 $0x80  }
0x6: {  	s23 =	simm.s32 $0x5000;
	s24 =	simm.s32 $0x1;
	s6 =	sand.u32 $0x1, s2  }
0x7: {  	s25 =	simm.s32 $0x0;
	s2 =	stileid.u32;
	s8 =	smul.u32 $0x140000, s6  }
0x8: {  	[smem:$0x7FF] =	sst s3;
	s4 =	sshll.u32 s6, $0x4;
	s10 =	smul.u32 $0x14000, s2  }
0x9: {  	s6 =	ssub.s32 $0x2, s6;
	s30 =	smul.u32 $0x50000, s2;
	s9 =	sor.u32 s2, s4  }
0xa: {  	_ =	strace $0x8000004D;
	s12 =	sshrl.u32 s6, $0x1;
	s9 =	smul.u32 $0x500, s9  }
0xb: {  	s4 =	sadd.s32 $0x2400, s5;
	s8 =	sadd.s32 s10, s8;
	s12 =	ssub.s32 s6, s12  }
0xc: {  	s31 =	sshrl.u32 s30, $0x2;
	s8 =	sshrl.u32 s8, $0x3;
	s11 =	sadd.s32 s9, s5  }
0xd: {  	s8 =	sadd.s32 s8, s5;
	s5 =	sadd.s32 s31, s1;
	s7 =	sadd.s32 s7, s9  }
0xe: {  	s9 =	smax.u32 s12, $0x1;
	s6 =	sadd.s32 $0x52400, s11;
	s8 =	sadd.s32 $0x5C400, s8  }
0xf: {  	s10 =	sadd.s32 $0x2000, s5;
	s11 =	sadd.s32 $0x4000, s5;
	s12 =	sadd.s32 $0x6000, s5  }
0x10: {  	s13 =	sadd.s32 $0x8000, s5;
	s14 =	sadd.s32 $0xA000, s5;
	s15 =	sadd.s32 $0xC000, s5  }
0x11: {  	v0 =	vimm.f32 $0.0e+00;
	s16 =	sadd.s32 $0xE000, s5;
	s17 =	sadd.s32 $0x10000, s5;
	s18 =	sadd.s32 $0x12000, s5  }
.LBB2_1:
0x12: {  	s26 =	sand.u32 $0x7E00, s3  }
0x13: {  	s28 =	sand.u32 $0x70, s3;
	s29 =	sshrl.u32 s26, $0x2  }
0x14: {  	s26 =	simm.s32 $0x40;
	s29 =	sor.u32 s28, s29;
	s28 =	simm.s32 $0x0  }
.LBB2_2:
0x15: {  	p0 =	sne.s32 s26, $0x7FC0  }
0x16: {  	[tilespmem:s29+$0x9000] =	vst v0;
	s28 =	sadd.s32 $0x10, s28;
	s29 =	smov.u32 s26;
	s26 =	sadd.s32 $0x40, s26  }
.Ltmp0:
0x17: {  	(pc) =	sbr.rel @p0 .LBB2_2-.Ltmp0, $4  }
0x18: {  	_ = 	snop  }
0x19: {  	s29 =	sand.u32 $0x7E00, s29  }
0x1a: {  	s30 =	sand.u32 $0x70, s28;
	s29 =	sshrl.u32 s29, $0x2  }
0x1b: {  	s29 =	sor.u32 s30, s29  }
0x1c: {  	[tilespmem:s29+$0x9000] =	vst v0  }
0x1d: {  	[spmem:s5] =	stream.linear.scatter [tilespmem:s19], [sflag:$0x2], $0x2000, $0x38;
	[tilespmem:$0x1F000] =	vst v63  }
0x1e: {  	_ =	swait.ge [sflag:s20], $0x2000  }
0x1f: {  	[sflag:s20] =	ssyncset.done $0x0  }
0x20: {  	[sflag:s20] =	ssyncadd.s32 $0xFFFFE000  }
0x21: {  	[spmem:s10] =	stream.linear.scatter [tilespmem:s19], [sflag:$0x2], $0x2000, $0x38;
	[tilespmem:$0x1F000] =	vst v63  }
0x22: {  	_ =	swait.ge [sflag:s20], $0x2000  }
0x23: {  	[sflag:s20] =	ssyncset.done $0x0  }
0x24: {  	[sflag:s20] =	ssyncadd.s32 $0xFFFFE000  }
0x25: {  	[spmem:s11] =	stream.linear.scatter [tilespmem:s19], [sflag:$0x2], $0x2000, $0x38;
	[tilespmem:$0x1F000] =	vst v63  }
0x26: {  	_ =	swait.ge [sflag:s20], $0x2000  }
0x27: {  	[sflag:s20] =	ssyncset.done $0x0  }
0x28: {  	[sflag:s20] =	ssyncadd.s32 $0xFFFFE000  }
0x29: {  	[spmem:s12] =	stream.linear.scatter [tilespmem:s19], [sflag:$0x2], $0x2000, $0x38;
	[tilespmem:$0x1F000] =	vst v63  }
0x2a: {  	_ =	swait.ge [sflag:s20], $0x2000  }
0x2b: {  	[sflag:s20] =	ssyncset.done $0x0  }
0x2c: {  	[sflag:s20] =	ssyncadd.s32 $0xFFFFE000  }
0x2d: {  	[spmem:s13] =	stream.linear.scatter [tilespmem:s19], [sflag:$0x2], $0x2000, $0x38;
	[tilespmem:$0x1F000] =	vst v63  }
0x2e: {  	_ =	swait.ge [sflag:s20], $0x2000  }
0x2f: {  	[sflag:s20] =	ssyncset.done $0x0  }
0x30: {  	[sflag:s20] =	ssyncadd.s32 $0xFFFFE000  }
0x31: {  	[spmem:s14] =	stream.linear.scatter [tilespmem:s19], [sflag:$0x2], $0x2000, $0x38;
	[tilespmem:$0x1F000] =	vst v63  }
0x32: {  	_ =	swait.ge [sflag:s20], $0x2000  }
0x33: {  	[sflag:s20] =	ssyncset.done $0x0  }
0x34: {  	[sflag:s20] =	ssyncadd.s32 $0xFFFFE000  }
0x35: {  	[spmem:s15] =	stream.linear.scatter [tilespmem:s19], [sflag:$0x2], $0x2000, $0x38;
	[tilespmem:$0x1F000] =	vst v63  }
0x36: {  	_ =	swait.ge [sflag:s20], $0x2000  }
0x37: {  	[sflag:s20] =	ssyncset.done $0x0  }
0x38: {  	[sflag:s20] =	ssyncadd.s32 $0xFFFFE000  }
0x39: {  	[spmem:s16] =	stream.linear.scatter [tilespmem:s19], [sflag:$0x2], $0x2000, $0x38;
	[tilespmem:$0x1F000] =	vst v63  }
0x3a: {  	_ =	swait.ge [sflag:s20], $0x2000  }
0x3b: {  	[sflag:s20] =	ssyncset.done $0x0  }
0x3c: {  	[sflag:s20] =	ssyncadd.s32 $0xFFFFE000  }
0x3d: {  	[spmem:s17] =	stream.linear.scatter [tilespmem:s19], [sflag:$0x2], $0x2000, $0x38;
	[tilespmem:$0x1F000] =	vst v63  }
0x3e: {  	_ =	swait.ge [sflag:s20], $0x2000  }
0x3f: {  	[sflag:s20] =	ssyncset.done $0x0  }
0x40: {  	[sflag:s20] =	ssyncadd.s32 $0xFFFFE000  }
0x41: {  	[spmem:s18] =	stream.linear.scatter [tilespmem:s19], [sflag:$0x2], $0x2000, $0x38;
	[tilespmem:$0x1F000] =	vst v63  }
0x42: {  	_ =	swait.ge [sflag:s20], $0x2000  }
0x43: {  	[sflag:s20] =	ssyncset.done $0x0  }
0x44: {  	[sflag:s20] =	ssyncadd.s32 $0xFFFFE000  }
0x45: {  	s26 =	simm.s32 $0x0;
	[bflag:$0x0] =	sbarrier.arrive $0xFFFF  }
0x46: {  	[tilespmem:s26], [sflag:$0x2] =	stream.linear.gather [hbm4b:s6+s26], $0x2780, $0x38;
	[tilespmem:$0x1F000] =	vst v63  }
0x47: {  	_ =	swait.ge [sflag:s20], $0x2780  }
0x48: {  	[sflag:s20] =	ssyncset.done $0x0  }
0x49: {  	[sflag:s20] =	ssyncadd.s32 $0xFFFFD880  }
0x4a: {  	[tilespmem:s21], [sflag:$0x2] =	stream.linear.gather [hbm4b:s7+s26], $0x2780, $0x38;
	[tilespmem:$0x1F000] =	vst v63  }
0x4b: {  	_ =	swait.ge [sflag:s20], $0x2780  }
0x4c: {  	[sflag:s20] =	ssyncset.done $0x0  }
0x4d: {  	s30 =	simm.s32 $0x0;
	[sflag:s20] =	ssyncadd.s32 $0xFFFFD880  }
0x4e: {  	[tilespmem:s23], [sflag:$0x1] =	stream.indirect.gather [hbm4b:s4+s22], $0x80, s30, s22, $0xb8;
	[tilespmem:$0x1F000] =	vst v63  }
0x4f: {  	_ =	swait.ge [sflag:s24], $0x4000  }
0x50: {  	[sflag:s24] =	ssyncset.done $0x0  }
0x51: {  	s31 =	simm.s32 $0x2800;
	[sflag:s24] =	ssyncadd.s32 $0xFFFFC000  }
0x52: {  	[spmem:s1] =	stream.indirect.scatter.add.f32 [tilespmem:s23], [sflag:$0x2], $0x80, s31, s22, $0xb8;
	[tilespmem:$0x1F000] =	vst v63  }
0x53: {  	_ =	swait.ge [sflag:s20], $0x4000  }
0x54: {  	s28 =	simm.s32 $0x400;
	s26 =	simm.s32 $0x200;
	[sflag:s20] =	ssyncset.done $0x0  }
.LBB2_4:
0x55: {  	s29 =	sshra.s32 s26, $0x2  }
0x56: {  	[sflag:s20] =	ssyncadd.s32 $0xFFFFC000;
	s26 =	smov.u32 s28;
	s30 =	sadd.s32 $0x200, s28  }
0x57: {  	[tilespmem:s23], [sflag:$0x1] =	stream.indirect.gather [hbm4b:s4+s22], $0x80, s29, s22, $0xb8;
	[tilespmem:$0x1F000] =	vst v63  }
0x58: {  	p0 =	sne.s32 s28, $0x9C00;
	_ =	swait.ge [sflag:s24], $0x4000  }
.Ltmp1:
0x59: {  	[sflag:s24] =	ssyncset.done $0x0;
	(pc) =	sbr.rel @p0 .LBB2_4-.Ltmp1, $4  }
0x5a: {  	s28 =	sadd.s32 $0x2800, s29;
	[sflag:s24] =	ssyncadd.s32 $0xFFFFC000  }
0x5b: {  	[spmem:s1] =	stream.indirect.scatter.add.f32 [tilespmem:s23], [sflag:$0x2], $0x80, s28, s22, $0xb8;
	[tilespmem:$0x1F000] =	vst v63  }
0x5c: {  	_ =	swait.ge [sflag:s20], $0x4000  }
0x5d: {  	s28 =	smov.u32 s30;
	[sflag:s20] =	ssyncset.done $0x0  }
0x5e: {  	s26 =	sshra.s32 s26, $0x2;
	[sflag:s20] =	ssyncadd.s32 $0xFFFFC000  }
0x5f: {  	[tilespmem:s23], [sflag:$0x1] =	stream.indirect.gather [hbm4b:s4+s22], $0x80, s26, s22, $0xb8;
	[tilespmem:$0x1F000] =	vst v63  }
0x60: {  	_ =	swait.ge [sflag:s24], $0x4000  }
0x61: {  	[sflag:s24] =	ssyncset.done $0x0  }
0x62: {  	s26 =	sadd.s32 $0x2800, s26;
	[sflag:s24] =	ssyncadd.s32 $0xFFFFC000  }
0x63: {  	[spmem:s1] =	stream.indirect.scatter.add.f32 [tilespmem:s23], [sflag:$0x2], $0x80, s26, s22, $0xb8;
	[tilespmem:$0x1F000] =	vst v63  }
0x64: {  	_ =	swait.ge [sflag:s20], $0x4000  }
0x65: {  	s31 =	sshll.u32 s2, $0x6;
	s25 =	sadd.s32 $0x1, s25;
	[sflag:s20] =	ssyncset.done $0x0  }
0x66: {  	s28 =	sshrl.u32 s5, $0x3;
	p0 =	sne.s32 s25, s9;
	[sflag:s20] =	ssyncadd.s32 $0xFFFFC000  }
.Ltmp2:
0x67: {  	s26 =	sor.u32 $0x1C02, s31;
	[bflag:$0x0] =	sbarrier.arrive $0xFFFF;
	(pc) =	sbr.rel @p0 .LBB2_1-.Ltmp2, $4  }
0x68: {  	[hbm:s8], [sflag:s26] =	dma.local [spmem:s28], $0x2800  }
0x69: {  	_ =	swait.ge [sflag:s20], $0x2800  }
0x6a: {  	[sflag:s20] =	ssyncset.done $0x0  }
0x6b: {  	[sflag:s20] =	ssyncadd.s32 $0xFFFFD800  }
0x6c: {  	_ =	sfence.sel $0x180000  }
0x6d: {  	[bflag:$0x0] =	sbarrier.arrive $0xFFFF  }
0x6e: {  	p0 =	sne.s32 s2, $0x0;
	_ =	strace $0x9000004D  }
0x6f: {  	s0 =	sadd.s32 @!p0 $0x100000, s0;
	[bflag:$0x2] =	sbarrier.arrive $0xFFFF  }
0x70: {  	[sflag:s0] =	ssyncadd.tile.s32 @!p0 $0x1;
	_ =	shalt  }
.Lfunc_end2:
_tile_overlayer_lowered:
.L_overlay_start_2:
0x71: {  	(tag) =	ssettag $0x2  }
0x72: {  	s0 =	rddreg [dreg:$0x0];
	s2 =	stileid.u32  }
0x73: {  	s1 =	rddreg [dreg:$0x1];
	p0 =	sne.s32 s2, $0x0  }
0x74: {  	s3 =	rddreg [dreg:$0x2];
	[bflag:$0x3] =	sbarrier.arrive $0xFFFF;
	s2 =	simm.s32 @!p0 $0x1C02  }
0x75: {  	[timem:s3], [sflag:s2] =	dma.local @!p0 [hbm:s0], s1  }
0x76: {  	s0 =	simm.s32 @!p0 $0x2  }
0x77: {  	_ =	swait.ge @!p0 [sflag:s0], s1  }
0x78: {  	s1 =	ssub.s32 @!p0 $0x0, s1;
	[sflag:s0] =	ssyncset.done @!p0 $0x0  }
0x79: {  	[sflag:s0] =	ssyncadd.s32 @!p0 s1  }
0x7a: {  	[bflag:$0x3] =	sbarrier.arrive $0xFFFF  }
0x7b: {  	_ =	shalt  }

// kernel: kernel.8.cloned.1.call-start
scs
__scs_entry_jumppad:
0x0: {  	(pc) =	sbr.rel $0x88, $3  }
0x1: {  	(tag) =	ssettag $0x0;
	lr =	simm.s32 $0x1  }
0x2: {  	[smem:$0x3F99] =	sst lr;
	_ =	strace $0xD0000000  }
0x3: {  	_ = 	snop  }
0x4: {  	_ = 	snop  }
0x5: {  	_ = 	snop  }
0x6: {  	_ = 	snop  }
0x7: {  	_ = 	snop  }
__scs_overlays_trampoline_lowered:
0x8: {  	[smem:$0x3FA8] =	sst s0  }
0x9: {  	[smem:$0x3FA9] =	sst s1  }
0xa: {  	[smem:$0x3FAA] =	sst s2  }
0xb: {  	[smem:$0x3FAB] =	sst s3  }
0xc: {  	[smem:$0x3FAC] =	sst s4  }
0xd: {  	[smem:$0x3FAD] =	sst s5  }
0xe: {  	[smem:$0x3FAE] =	sst s6  }
0xf: {  	[smem:$0x3FAF] =	sst s7  }
0x10: {  	[smem:$0x3FB0] =	sst s8  }
0x11: {  	[smem:$0x3FB1] =	sst s9;
	s0 =	simm.s32 @!p0 $0x0  }
0x12: {  	s1 =	sld [smem:$0x3F97];
	s0 =	simm.s32 @p0 $0x1  }
0x13: {  	[smem:$0x3FB2] =	sst s0;
	s0 =	simm.s32 @!p1 $0x0  }
0x14: {  	s2 =	sld [smem:$0x3F96];
	s0 =	simm.s32 @p1 $0x1  }
0x15: {  	[smem:$0x3FB3] =	sst s0;
	s0 =	simm.s32 @!p2 $0x0  }
0x16: {  	s3 =	sld [smem:$0x3FDB];
	s0 =	simm.s32 @p2 $0x1  }
0x17: {  	s4 =	simm.s32 $0x1BF5;
	[smem:$0x3FB5] =	sst s0  }
0x18: {  	s0 =	sld [smem:$0x3F98];
	_ =	swait.ge [sflag:s4], $0x0  }
0x19: {  	s7 =	sld [smem:$0x3F99]  }
0x1a: {  	s8 =	sadd.s32 $0xFFFFE003, lr  }
0x1b: {  	s9 =	sadd.s32 $0xFFFFFEF7, lr;
	s5 =	simm.s32 $0xFFFFFFFF;
	p2 =	slt.u32 s8, $0xFFFFF086  }
0x1c: {  	p1 =	slt.u32 s9, $0xF7A;
	s5 =	simm.s32 @!p2 $0x0  }
0x1d: {  	s5 =	simm.s32 @p1 $0x1;
	p0 =	seq.s32 s7, s2  }
0x1e: {  	s7 =	smul.u32 @!p0 $0xF7A, s2;
	p2 =	seq.s32 @!p0 s5, $0x0  }
0x1f: {  	s9 =	smul.u32 $0xF7A, s1;
	s8 =	simm.s32 @!p0 $0x1BF5;
	p2 =	por !p2, p0  }
0x20: {  	[sflag:s8] =	ssyncset.s32 @!p0 $0xFFFFF086;
	s6 =	sadd.s32 @!p0 s3, s7;
	s7 =	simm.s32 @!p0 $0x108  }
0x21: {  	s3 =	sadd.s32 s3, s9;
	s6 =	sadd.s32 @!p0 $0x88, s6;
	s7 =	simm.s32 @p2 $0x1082  }
0x22: {  	[simem:s7], [sflag:s8] =	dma.local @!p0 [hbm:s6], $0xF7A  }
0x23: {  	s9 =	sor.u32 $0xD0000000, s2;
	s6 =	simm.s32 $0x108;
	_ =	swait.ge @!p0 [sflag:s8], $0x0  }
0x24: {  	s3 =	sadd.s32 $0x88, s3;
	s6 =	simm.s32 @!p1 $0x1082;
	[sflag:s4] =	ssyncset.s32 $0xFFFFF086  }
0x25: {  	[simem:s6], [sflag:s4] =	dma.local [hbm:s3], $0xF7A  }
0x26: {  	[smem:$0x3F99] =	sst s1;
	(tag) =	ssettag s2;
	_ =	strace s9  }
0x27: {  	s1 =	sld [smem:$0x3FA9]  }
0x28: {  	s2 =	sld [smem:$0x3FAA]  }
0x29: {  	s4 =	sld [smem:$0x3FAC]  }
0x2a: {  	p0 =	seq.s32 s5, $0x0;
	s5 =	sld [smem:$0x3FAD]  }
0x2b: {  	s6 =	sld [smem:$0x3FAE]  }
0x2c: {  	s7 =	sld [smem:$0x3FAF]  }
0x2d: {  	s3 =	simm.s32 $0x108;
	s8 =	sld [smem:$0x3FB0]  }
0x2e: {  	s3 =	simm.s32 @!p0 $0x1082;
	s9 =	sld [smem:$0x3FB1]  }
0x2f: {  	lr =	sadd.s32 s0, s3;
	s0 =	sld [smem:$0x3FA8]  }
0x30: {  	s3 =	sld [smem:$0x3FAB]  }
0x31: {  	[smem:$0x3FB4] =	sst s10  }
0x32: {  	s10 =	sld [smem:$0x3FB2];
	_ =	sdelay $0x3  }
0x33: {  	p0 =	seq.s32 s10, $0x1;
	s10 =	sld [smem:$0x3FB4];
	_ =	sdelay $0x3  }
0x34: {  	[smem:$0x3FB4] =	sst s10  }
0x35: {  	s10 =	sld [smem:$0x3FB3];
	_ =	sdelay $0x3  }
0x36: {  	p1 =	seq.s32 s10, $0x1;
	s10 =	sld [smem:$0x3FB4];
	_ =	sdelay $0x3  }
0x37: {  	[smem:$0x3FB4] =	sst s10  }
0x38: {  	s10 =	sld [smem:$0x3FB5]  }
0x39: {  	_ = 	snop;
	(pc) =	sbr.ind lr, $3  }
0x3a: {  	_ = 	snop  }
0x3b: {  	_ = 	snop  }
0x3c: {  	p2 =	seq.s32 s10, $0x1;
	s10 =	sld [smem:$0x3FB4]  }
0x3d: {  	_ =	shalt  }
0x3e: {  	_ =	shalt  }
0x3f: {  	_ =	shalt  }
0x40: {  	_ =	shalt  }
0x41: {  	_ =	shalt  }
0x42: {  	_ =	shalt  }
0x43: {  	_ =	shalt  }
0x44: {  	_ =	shalt  }
0x45: {  	_ =	shalt  }
0x46: {  	_ =	shalt  }
0x47: {  	_ =	shalt  }
0x48: {  	_ =	shalt  }
0x49: {  	_ =	shalt  }
0x4a: {  	_ =	shalt  }
0x4b: {  	_ =	shalt  }
0x4c: {  	_ =	shalt  }
0x4d: {  	_ =	shalt  }
0x4e: {  	_ =	shalt  }
0x4f: {  	_ =	shalt  }
0x50: {  	_ =	shalt  }
0x51: {  	_ =	shalt  }
0x52: {  	_ =	shalt  }
0x53: {  	_ =	shalt  }
0x54: {  	_ =	shalt  }
0x55: {  	_ =	shalt  }
0x56: {  	_ =	shalt  }
0x57: {  	_ =	shalt  }
0x58: {  	_ =	shalt  }
0x59: {  	_ =	shalt  }
0x5a: {  	_ =	shalt  }
0x5b: {  	_ =	shalt  }
0x5c: {  	_ =	shalt  }
0x5d: {  	_ =	shalt  }
0x5e: {  	_ =	shalt  }
0x5f: {  	_ =	shalt  }
0x60: {  	_ =	shalt  }
0x61: {  	_ =	shalt  }
0x62: {  	_ =	shalt  }
0x63: {  	_ =	shalt  }
0x64: {  	_ =	shalt  }
0x65: {  	_ =	shalt  }
0x66: {  	_ =	shalt  }
0x67: {  	_ =	shalt  }
0x68: {  	_ =	shalt  }
0x69: {  	_ =	shalt  }
0x6a: {  	_ =	shalt  }
0x6b: {  	_ =	shalt  }
0x6c: {  	_ =	shalt  }
0x6d: {  	_ =	shalt  }
0x6e: {  	_ =	shalt  }
0x6f: {  	_ =	shalt  }
0x70: {  	_ =	shalt  }
0x71: {  	_ =	shalt  }
0x72: {  	_ =	shalt  }
0x73: {  	_ =	shalt  }
0x74: {  	_ =	shalt  }
0x75: {  	_ =	shalt  }
0x76: {  	_ =	shalt  }
0x77: {  	_ =	shalt  }
0x78: {  	_ =	shalt  }
0x79: {  	_ =	shalt  }
0x7a: {  	_ =	shalt  }
0x7b: {  	_ =	shalt  }
0x7c: {  	_ =	shalt  }
0x7d: {  	_ =	shalt  }
0x7e: {  	_ =	shalt  }
0x7f: {  	_ =	shalt  }
0x80: {  	_ =	shalt  }
0x81: {  	_ =	shalt  }
0x82: {  	_ =	shalt  }
0x83: {  	_ =	shalt  }
0x84: {  	_ =	shalt  }
0x85: {  	_ =	shalt  }
0x86: {  	_ =	shalt  }
0x87: {  	_ =	shalt  }
.Lfunc_end0:
.L_simem_size_0:
called_computation_lowered:
.L_overlay_start_0:
0x88: {  	s2 =	sld [smem:$0x3FD9]  }
0x89: {  	s3 =	sld [smem:$0x3FFE];
	_ =	sdelay $0x1  }
0x8a: {  	s1 =	srdreg.scid  }
0x8b: {  	s0 =	sand.u32 $0x1, s1  }
0x8c: {  	s14 =	sshll.u32 s0, $0xA;
	s2 =	sadd.s32 s3, s2  }
0x8d: {  	s2 =	sadd.s32 s2, s14  }
0x8e: {  	[smem:$0x3FC0] =	sst s2  }
0x8f: {  	_ = 	snop  }
0x90: {  	s2 =	sld [smem:$0x3FD0];
	_ =	sdelay $0x2  }
0x91: {  	s15 =	simm.s32 $0xA;
	s4 =	simm.s32 $0x10  }
0x92: {  	[smem:s4], [sflag:s15] =	dma.local [hbm:s2], $0x1  }
0x93: {  	_ =	swait.eq [sflag:s15], $0x1  }
0x94: {  	[sflag:s15] =	ssyncset.done $0x0  }
0x95: {  	[sflag:s15] =	ssyncadd.s32 $0xFFFFFFFF  }
0x96: {  	s16 =	sld [smem:$0x10];
	(tm) =	ssettm $0x1  }
0x97: {  	s17 =	sld [smem:$0x3FFB];
	_ =	sdelay $0x3  }
0x98: {  	_ =	strace s17  }
0x99: {  	s3 =	sld [smem:$0x3FFC];
	_ =	sdelay $0x3  }
0x9a: {  	_ =	strace s3  }
0x9b: {  	s3 =	sld [smem:$0x3FFD];
	_ =	sdelay $0x3  }
0x9c: {  	_ =	strace s3  }
0x9d: {  	_ =	strace $0x8FFFFFFF  }
0x9e: {  	s18 =	sld [smem:$0x3FDB];
	_ =	sdelay $0x1  }
0x9f: {  	s19 =	simm.s32 $_scs_section_size  }
0xa0: {  	s5 =	simm.s32 $_size__tile_overlayer_lowered;
	s6 =	simm.s32 $_tile_overlayer_lowered  }
0xa1: {  	s22 =	simm.s32 $0x1BFF;
	s21 =	sshll.u32 s6, $0x1;
	s3 =	sadd.s32 s19, s18  }
0xa2: {  	s7 =	simm.s32 $0x0;
	s20 =	sshll.u32 s5, $0x1;
	s5 =	sadd.s32 s21, s3  }
0xa3: {  	[timem:s7], [sflag:s22] =	dma.local [hbm:s5], s20  }
0xa4: {  	_ =	swait.ge [sflag:s22], s20  }
0xa5: {  	s4 =	ssub.s32 $0x0, s20;
	[sflag:s22] =	ssyncset.done $0x0  }
0xa6: {  	[sflag:s22] =	ssyncadd.s32 s4;
	_ =	sdelay $0x1  }
0xa7: {  	s23 =	simm.s32 $0x1B8B  }
0xa8: {  	_ =	swait.ge [sflag:s23], $0x1  }
0xa9: {  	[sflag:s23] =	ssyncset.done $0x0  }
0xaa: {  	s25 =	simm.s32 $0x1B8E;
	s24 =	sld [smem:$0x3FFE];
	[sflag:s23] =	ssyncadd.s32 $0xFFFFFFFF  }
0xab: {  	s26 =	simm.s32 $execute0_lowered;
	[smem:$0x3FD2] =	sst s25  }
0xac: {  	s5 =	sshll.u32 s26, $0x1;
	_ =	strace $0x80000046;
	[dreg:$0x1] =	wrdreg $0xFFFFFFFF  }
0xad: {  	s28 =	simm.s32 $_size_execute0_lowered;
	s3 =	sadd.s32 s3, s5;
	[dreg:$0x0] =	wrdreg $0x0  }
0xae: {  	s5 =	sshll.u32 s28, $0x1;
	[dreg:$0x2] =	wrdreg s3  }
0xaf: {  	[dreg:$0x3] =	wrdreg s5  }
0xb0: {  	[dreg:$0x4] =	wrdreg $0xC0  }
0xb1: {  	_ =	task [dreg:s7], $0x5FFFF  }
0xb2: {  	[dreg:$0x1] =	wrdreg $0xFFFFFFFF  }
0xb3: {  	[dreg:$0x0] =	wrdreg $0x60  }
0xb4: {  	[dreg:$0x2] =	wrdreg s16  }
0xb5: {  	[dreg:$0x3] =	wrdreg s24  }
0xb6: {  	[dreg:$0x4] =	wrdreg $0x88000  }
0xb7: {  	[dreg:$0x5] =	wrdreg $0x9  }
0xb8: {  	_ =	task.clear_ibuf [dreg:s7], $0x6FFFF;
	_ =	strace $0x90000046  }
0xb9: {  	s29 =	simm.s32 $0x9;
	_ =	strace $0x80000048  }
0xba: {  	_ =	swait.ge [sflag:s29], $0x1  }
0xbb: {  	[sflag:s29] =	ssyncadd.s32 $0xFFFFFFFF  }
0xbc: {  	_ =	strace $0x90000048  }
0xbd: {  	_ =	sfence  }
0xbe: {  	s30 =	sld [smem:$0x0];
	_ =	sdelay $0x2  }
0xbf: {  	s31 =	sshll.u32 s1, $0xD;
	s1 =	sshrl.u32 s1, $0x2  }
0xc0: {  	s3 =	sand.u32 $0x4000, s31;
	s1 =	sadd.s32 s1, s30  }
0xc1: {  	s0 =	sor.u32 s3, s0;
	s1 =	sshll.u32 s1, $0x11  }
0xc2: {  	s0 =	sor.u32 s1, s0  }
0xc3: {  	s0 =	sadd.s32 $0x8F2B, s0  }
0xc4: {  	[sflag:s0] =	ssyncadd.remote.s32 $0x1  }
0xc5: {  	_ =	sfence.sel $0xFFFF  }
0xc6: {  	[dreg:$0x0] =	wrdreg $0xFFFFFFFF;
	(pc) =	sbr.abs _section_cstart, $3  }
0xc7: {  	[dreg:$0x1] =	wrdreg $0xFFFFFFFF  }
0xc8: {  	_ =	task.clear_ibuf [dreg:s7], $0x2FFFF;
	_ =	strace $0x9FFFFFFF  }
0xc9: {  	(tm) =	ssettm $0x7FFFFFFF  }
tec
execute0_lowered:
.L_overlay_start_1:
0x0: {  	(tag) =	ssettag $0x1  }
0x1: {  	s5 =	rddreg [dreg:$0x0]  }
0x2: {  	s4 =	rddreg [dreg:$0x1]  }
0x3: {  	s1 =	rddreg [dreg:$0x2];
	s2 =	srdreg.scid  }
0x4: {  	s0 =	rddreg [dreg:$0x3];
	s3 =	simm.s32 $0x0;
	s17 =	simm.s32 $0x6800  }
0x5: {  	s18 =	simm.s32 $0x1;
	s6 =	sand.u32 $0x1, s2;
	s2 =	stileid.u32  }
0x6: {  	s19 =	simm.s32 $0x80;
	[smem:$0x7FF] =	sst s3;
	s7 =	smul.u32 $0x140000, s6  }
0x7: {  	s20 =	simm.s32 $0x2800;
	s8 =	smul.u32 $0x14000, s2;
	_ =	strace $0x80000047  }
0x8: {  	s9 =	sshll.u32 s6, $0x4;
	s30 =	smul.u32 $0x50000, s2;
	s6 =	ssub.s32 $0x2, s6  }
0x9: {  	s29 =	sor.u32 s2, s9;
	s31 =	sshrl.u32 s6, $0x1;
	s7 =	sadd.s32 s8, s7  }
0xa: {  	s8 =	smul.u32 $0x500, s29;
	s9 =	sshrl.u32 s30, $0x2;
	s7 =	sshrl.u32 s7, $0x3  }
0xb: {  	s10 =	ssub.s32 s6, s31;
	s7 =	sadd.s32 s7, s4;
	s4 =	sadd.s32 s9, s1  }
0xc: {  	s5 =	sadd.s32 s5, s8;
	s6 =	sadd.s32 $0x2400, s7;
	s7 =	smax.u32 s10, $0x1  }
0xd: {  	s8 =	sadd.s32 $0x2000, s4;
	s9 =	sadd.s32 $0x4000, s4;
	s10 =	sadd.s32 $0x6000, s4  }
0xe: {  	s11 =	sadd.s32 $0x8000, s4;
	s12 =	sadd.s32 $0xA000, s4;
	s13 =	sadd.s32 $0xC000, s4  }
0xf: {  	v0 =	vimm.f32 $1.000000000e+00;
	v1 =	vimm.f32 $0.0e+00;
	s14 =	sadd.s32 $0xE000, s4;
	s15 =	sadd.s32 $0x10000, s4;
	s16 =	sadd.s32 $0x12000, s4  }
.LBB2_1:
0x10: {  	s21 =	simm.s32 $0x0;
	s22 =	simm.s32 $0x0  }
.LBB2_2:
0x11: {  	p0 =	sne.s32 s22, $0xFFC0  }
.Ltmp0:
0x12: {  	_ = 	snop;
	(pc) =	sbr.rel @p0 .LBB2_2-.Ltmp0, $4  }
0x13: {  	s23 =	sand.u32 $0xFE00, s22  }
0x14: {  	s24 =	sand.u32 $0x70, s21;
	s23 =	sshrl.u32 s23, $0x2  }
0x15: {  	s23 =	sor.u32 s24, s23  }
0x16: {  	s21 =	sadd.s32 $0x10, s21;
	s22 =	sadd.s32 $0x40, s22;
	[tilespmem:s23+$0x2800] =	vst v0  }
0x17: {  	s21 =	simm.s32 $0x0  }
0x18: {  	s22 =	sand.u32 $0x7E00, s21  }
0x19: {  	s23 =	sand.u32 $0x70, s21;
	s24 =	sshrl.u32 s22, $0x2  }
0x1a: {  	s22 =	simm.s32 $0x40;
	s23 =	sor.u32 s23, s24  }
.LBB2_4:
0x1b: {  	p0 =	sne.s32 s22, $0x7FC0  }
0x1c: {  	[tilespmem:s23+$0x6800] =	vst v1;
	s21 =	sadd.s32 $0x10, s21;
	s23 =	smov.u32 s22;
	s22 =	sadd.s32 $0x40, s22  }
.Ltmp1:
0x1d: {  	(pc) =	sbr.rel @p0 .LBB2_4-.Ltmp1, $4  }
0x1e: {  	_ = 	snop  }
0x1f: {  	s23 =	sand.u32 $0x7E00, s23  }
0x20: {  	s24 =	sand.u32 $0x70, s21;
	s23 =	sshrl.u32 s23, $0x2  }
0x21: {  	s23 =	sor.u32 s24, s23  }
0x22: {  	[tilespmem:s23+$0x6800] =	vst v1  }
0x23: {  	[spmem:s4] =	stream.linear.scatter [tilespmem:s17], [sflag:$0x1], $0x2000, $0x38;
	[tilespmem:$0x1C800] =	vst v63  }
0x24: {  	_ =	swait.ge [sflag:s18], $0x2000  }
0x25: {  	[sflag:s18] =	ssyncset.done $0x0  }
0x26: {  	[sflag:s18] =	ssyncadd.s32 $0xFFFFE000  }
0x27: {  	[spmem:s8] =	stream.linear.scatter [tilespmem:s17], [sflag:$0x1], $0x2000, $0x38;
	[tilespmem:$0x1C800] =	vst v63  }
0x28: {  	_ =	swait.ge [sflag:s18], $0x2000  }
0x29: {  	[sflag:s18] =	ssyncset.done $0x0  }
0x2a: {  	[sflag:s18] =	ssyncadd.s32 $0xFFFFE000  }
0x2b: {  	[spmem:s9] =	stream.linear.scatter [tilespmem:s17], [sflag:$0x1], $0x2000, $0x38;
	[tilespmem:$0x1C800] =	vst v63  }
0x2c: {  	_ =	swait.ge [sflag:s18], $0x2000  }
0x2d: {  	[sflag:s18] =	ssyncset.done $0x0  }
0x2e: {  	[sflag:s18] =	ssyncadd.s32 $0xFFFFE000  }
0x2f: {  	[spmem:s10] =	stream.linear.scatter [tilespmem:s17], [sflag:$0x1], $0x2000, $0x38;
	[tilespmem:$0x1C800] =	vst v63  }
0x30: {  	_ =	swait.ge [sflag:s18], $0x2000  }
0x31: {  	[sflag:s18] =	ssyncset.done $0x0  }
0x32: {  	[sflag:s18] =	ssyncadd.s32 $0xFFFFE000  }
0x33: {  	[spmem:s11] =	stream.linear.scatter [tilespmem:s17], [sflag:$0x1], $0x2000, $0x38;
	[tilespmem:$0x1C800] =	vst v63  }
0x34: {  	_ =	swait.ge [sflag:s18], $0x2000  }
0x35: {  	[sflag:s18] =	ssyncset.done $0x0  }
0x36: {  	[sflag:s18] =	ssyncadd.s32 $0xFFFFE000  }
0x37: {  	[spmem:s12] =	stream.linear.scatter [tilespmem:s17], [sflag:$0x1], $0x2000, $0x38;
	[tilespmem:$0x1C800] =	vst v63  }
0x38: {  	_ =	swait.ge [sflag:s18], $0x2000  }
0x39: {  	[sflag:s18] =	ssyncset.done $0x0  }
0x3a: {  	[sflag:s18] =	ssyncadd.s32 $0xFFFFE000  }
0x3b: {  	[spmem:s13] =	stream.linear.scatter [tilespmem:s17], [sflag:$0x1], $0x2000, $0x38;
	[tilespmem:$0x1C800] =	vst v63  }
0x3c: {  	_ =	swait.ge [sflag:s18], $0x2000  }
0x3d: {  	[sflag:s18] =	ssyncset.done $0x0  }
0x3e: {  	[sflag:s18] =	ssyncadd.s32 $0xFFFFE000  }
0x3f: {  	[spmem:s14] =	stream.linear.scatter [tilespmem:s17], [sflag:$0x1], $0x2000, $0x38;
	[tilespmem:$0x1C800] =	vst v63  }
0x40: {  	_ =	swait.ge [sflag:s18], $0x2000  }
0x41: {  	[sflag:s18] =	ssyncset.done $0x0  }
0x42: {  	[sflag:s18] =	ssyncadd.s32 $0xFFFFE000  }
0x43: {  	[spmem:s15] =	stream.linear.scatter [tilespmem:s17], [sflag:$0x1], $0x2000, $0x38;
	[tilespmem:$0x1C800] =	vst v63  }
0x44: {  	_ =	swait.ge [sflag:s18], $0x2000  }
0x45: {  	[sflag:s18] =	ssyncset.done $0x0  }
0x46: {  	[sflag:s18] =	ssyncadd.s32 $0xFFFFE000  }
0x47: {  	[spmem:s16] =	stream.linear.scatter [tilespmem:s17], [sflag:$0x1], $0x2000, $0x38;
	[tilespmem:$0x1C800] =	vst v63  }
0x48: {  	_ =	swait.ge [sflag:s18], $0x2000  }
0x49: {  	[sflag:s18] =	ssyncset.done $0x0  }
0x4a: {  	[sflag:s18] =	ssyncadd.s32 $0xFFFFE000  }
0x4b: {  	s21 =	simm.s32 $0x0;
	[bflag:$0x0] =	sbarrier.arrive $0xFFFF  }
0x4c: {  	[tilespmem:s21], [sflag:$0x1] =	stream.linear.gather [hbm4b:s5+s21], $0x2780, $0x38;
	[tilespmem:$0x1C800] =	vst v63  }
0x4d: {  	_ =	swait.ge [sflag:s18], $0x2780  }
0x4e: {  	[sflag:s18] =	ssyncset.done $0x0  }
0x4f: {  	s31 =	simm.s32 $0x0;
	[sflag:s18] =	ssyncadd.s32 $0xFFFFD880  }
0x50: {  	[spmem:s1] =	stream.indirect.scatter.add.f32 [tilespmem:s20], [sflag:$0x1], $0x80, s31, s19, $0xb8;
	[tilespmem:$0x1C800] =	vst v63  }
0x51: {  	_ =	swait.ge [sflag:s18], $0x4000  }
0x52: {  	s21 =	simm.s32 $0x200;
	[sflag:s18] =	ssyncset.done $0x0  }
.LBB2_6:
0x53: {  	s22 =	sshra.s32 s21, $0x2;
	[sflag:s18] =	ssyncadd.s32 $0xFFFFC000;
	p0 =	sne.s32 s21, $0x9C00  }
0x54: {  	[spmem:s1] =	stream.indirect.scatter.add.f32 [tilespmem:s20], [sflag:$0x1], $0x80, s22, s19, $0xb8;
	[tilespmem:$0x1C800] =	vst v63  }
.Ltmp2:
0x55: {  	_ = 	snop;
	(pc) =	sbr.rel @p0 .LBB2_6-.Ltmp2, $4  }
0x56: {  	_ = 	snop  }
0x57: {  	s21 =	sadd.s32 $0x200, s21  }
0x58: {  	_ =	swait.ge [sflag:s18], $0x4000  }
0x59: {  	[sflag:s18] =	ssyncset.done $0x0  }
0x5a: {  	[sflag:s18] =	ssyncadd.s32 $0xFFFFC000;
	s3 =	sadd.s32 $0x1, s3  }
0x5b: {  	s21 =	sshll.u32 s2, $0x6;
	s22 =	sshrl.u32 s4, $0x3;
	p0 =	sne.s32 s3, s7  }
.Ltmp3:
0x5c: {  	[bflag:$0x0] =	sbarrier.arrive $0xFFFF;
	s21 =	sor.u32 $0x1C01, s21;
	(pc) =	sbr.rel @p0 .LBB2_1-.Ltmp3, $4  }
0x5d: {  	[hbm:s6], [sflag:s21] =	dma.local [spmem:s22], $0x2800  }
0x5e: {  	_ =	swait.ge [sflag:s18], $0x2800  }
0x5f: {  	[sflag:s18] =	ssyncset.done $0x0  }
0x60: {  	[sflag:s18] =	ssyncadd.s32 $0xFFFFD800  }
0x61: {  	_ =	sfence.sel $0x180000  }
0x62: {  	[bflag:$0x0] =	sbarrier.arrive $0xFFFF  }
0x63: {  	p0 =	sne.s32 s2, $0x0;
	_ =	strace $0x90000047  }
0x64: {  	s0 =	sadd.s32 @!p0 $0x100000, s0;
	[bflag:$0x2] =	sbarrier.arrive $0xFFFF  }
0x65: {  	[sflag:s0] =	ssyncadd.tile.s32 @!p0 $0x1;
	_ =	shalt  }
.Lfunc_end2:
_tile_overlayer_lowered:
.L_overlay_start_2:
0x66: {  	(tag) =	ssettag $0x2  }
0x67: {  	s0 =	rddreg [dreg:$0x0];
	s2 =	stileid.u32  }
0x68: {  	s1 =	rddreg [dreg:$0x1];
	p0 =	sne.s32 s2, $0x0  }
0x69: {  	s3 =	rddreg [dreg:$0x2];
	[bflag:$0x3] =	sbarrier.arrive $0xFFFF;
	s2 =	simm.s32 @!p0 $0x1C01  }
0x6a: {  	[timem:s3], [sflag:s2] =	dma.local @!p0 [hbm:s0], s1  }
0x6b: {  	s0 =	simm.s32 @!p0 $0x1  }
0x6c: {  	_ =	swait.ge @!p0 [sflag:s0], s1  }
0x6d: {  	s1 =	ssub.s32 @!p0 $0x0, s1;
	[sflag:s0] =	ssyncset.done @!p0 $0x0  }
0x6e: {  	[sflag:s0] =	ssyncadd.s32 @!p0 s1  }
0x6f: {  	[bflag:$0x3] =	sbarrier.arrive $0xFFFF  }
0x70: {  	_ =	shalt  }

</sc_bundles>
